<compile_context>
chip_gen: v7x
topology: tpu7x:2x2x1
jax: 0.10.2.dev20260603
libtpu: 0.0.44.dev20260713+nightly
codegen_flags: <defaults>
</compile_context>

<pallas_src>
import functools

import jax
import jax.numpy as jnp
from jax import lax
from jax.experimental import pallas as pl
from jax.experimental.pallas import tpu as pltpu
from jax.experimental.pallas import tpu_sc as plsc

NB, NC, H, W = 8, 19, 384, 384
HW = H * W
NW = 32
CHUNK = HW // NW
ROWS_W = CHUNK // W
NROW = NB * ROWS_W
RVEC = W // 16
UNROLL = 8

MANT = 6
SHIFT = 23 - MANT
E0 = (127 - 16) << 23
NBINS = 32 * (1 << MANT) + 1
BPAD = 2176
ROW_CB = BPAD
TRASH = NBINS
HIST = 2 * BPAD

_mesh = plsc.VectorSubcoreMesh(core_axis_name="c", subcore_axis_name="s")


@functools.partial(
    pl.kernel,
    out_type=jax.ShapeDtypeStruct((NW, NC, HIST), jnp.float32),
    mesh=_mesh,
    scratch_types=[
        pltpu.VMEM((HIST,), jnp.float32),
        pltpu.VMEM((2, NROW, W), jnp.float32),
        pltpu.VMEM((NROW, W), jnp.int32),
        pltpu.SemaphoreType.DMA,
    ],
    compiler_params=pltpu.CompilerParams(
        needs_layout_passes=False, use_tc_tiling_on_sc=False
    ),
)
def _sc_hist(inputs_hbm, targets_hbm, out_hbm, hist, xbuf, tbuf, sem):
    wid = lax.axis_index("s") * 2 + lax.axis_index("c")
    row0 = wid * ROWS_W

    tcopies = [
        pltpu.async_copy(
            targets_hbm.at[b, pl.ds(row0, ROWS_W), :],
            tbuf.at[pl.ds(b * ROWS_W, ROWS_W), :],
            sem,
        )
        for b in range(NB)
    ]
    for b in range(NB):
        pltpu.async_copy(
            inputs_hbm.at[b, 0, pl.ds(row0, ROWS_W), :],
            xbuf.at[0, pl.ds(b * ROWS_W, ROWS_W), :],
            sem,
        )
    for cp in tcopies:
        cp.wait()

    ones16 = jnp.ones((16,), jnp.float32)
    zeros16 = jnp.zeros((16,), jnp.float32)

    def class_body(c, carry):
        par = c & 1
        for b in range(NB):
            pltpu.make_async_copy(
                inputs_hbm.at[b, c, pl.ds(row0, ROWS_W), :],
                xbuf.at[par, pl.ds(b * ROWS_W, ROWS_W), :],
                sem,
            ).wait()

        @pl.when(c < NC - 1)
        def _():
            for b in range(NB):
                pltpu.async_copy(
                    inputs_hbm.at[b, c + 1, pl.ds(row0, ROWS_W), :],
                    xbuf.at[1 - par, pl.ds(b * ROWS_W, ROWS_W), :],
                    sem,
                )

        def zero_body(j, z):
            hist[pl.ds(j * 16, 16)] = zeros16
            return z

        lax.fori_loop(0, HIST // 16, zero_body, 0)

        def row_body(r, z):
            @plsc.parallel_loop(0, RVEC, unroll=UNROLL)
            def _inner(i):
                off = i * 16
                x = xbuf[par, r, pl.ds(off, 16)]
                tg = tbuf[r, pl.ds(off, 16)]
                fg = tg == c
                e = jnp.where(fg, 1.0 - x, 1.0 + x)
                pos = e > 0.0
                bits = plsc.bitcast(e, jnp.int32)
                raw = ((bits - E0) >> SHIFT) + 1
                binv = jnp.clip(raw, 0, NBINS - 1)
                cidx0 = binv + jnp.where(fg, 0, ROW_CB)
                cidx = jnp.where(pos, cidx0, TRASH)
                plsc.addupdate_scatter(
                    hist, [cidx], ones16, mask=jnp.logical_or(pos, fg)
                )

            return z

        lax.fori_loop(0, NROW, row_body, 0)
        pltpu.sync_copy(hist, out_hbm.at[wid, c])
        return carry

    lax.fori_loop(0, NC, class_body, 0)


def _tc_integrate_body(part_ref, out_ref):
    x = part_ref[...]
    s = jnp.sum(x, axis=0)
    cf = s[:, 0:BPAD]
    cb = s[:, BPAD:2 * BPAD]
    P = jnp.sum(cf, axis=1, keepdims=True)
    k0 = lax.broadcasted_iota(jnp.int32, (1, BPAD), 1)
    live = k0 < NBINS
    n = jnp.where(live, cf + cb, 0.0)
    f = jnp.where(live, cf, 0.0)

    rows = lax.broadcasted_iota(jnp.int32, (BPAD, BPAD), 0)
    cols = lax.broadcasted_iota(jnp.int32, (BPAD, BPAD), 1)
    su = (rows > cols).astype(jnp.float32)
    nf = jnp.concatenate([n, f], axis=0)
    ab = lax.dot(nf, su, precision=lax.Precision.HIGHEST)
    tab = ab[:NC]
    fab = ab[NC:]

    k = lax.broadcasted_iota(jnp.int32, (1, BPAD), 1)
    lo = jnp.where(
        k == 0,
        0.0,
        lax.bitcast_convert_type(E0 + (k - 1) * (1 << SHIFT), jnp.float32),
    )
    hi = lax.bitcast_convert_type(E0 + k * (1 << SHIFT), jnp.float32)

    def jac(t, fa):
        return t / jnp.maximum(t + P - fa, 1.0)

    contrib = (hi - lo) * 0.5 * (jac(tab, fab) + jac(tab + n, fab + f))
    out_ref[0, 0] = jnp.sum(contrib) / NC


_tc_integrate = pl.pallas_call(
    _tc_integrate_body,
    out_shape=jax.ShapeDtypeStruct((1, 1), jnp.float32),
    in_specs=[pl.BlockSpec(memory_space=pltpu.VMEM)],
    out_specs=pl.BlockSpec(memory_space=pltpu.SMEM),
)


def kernel(inputs, targets):
    partial = _sc_hist(inputs, targets.astype(jnp.int32))
    loss = _tc_integrate(partial)
    return jnp.reshape(loss, ())

# --- scband reference (transcript-rebuilt; emitter-appended) ---
"""Pipeline reference for scband-lovasz-loss-7490422964458 (READ-ONLY COPY).

The authoritative reference and input builder live on the scoring server;
editing this copy changes nothing except your own understanding.
"""

import jax, jax.numpy as jnp
import numpy as np


def setup_inputs(seed: int = 0) -> dict:
    key = jax.random.key(seed)
    k1, k2 = jax.random.split(key)
    inputs = jax.random.normal(k1, (8, 19, 384, 384), dtype=jnp.float32)
    targets = jax.random.randint(k2, (8, 384, 384), 0, 19, dtype=jnp.int64)
    return {"inputs": inputs, "targets": targets}


def _lovasz_grad(gt_sorted):
    gts = gt_sorted.sum()
    intersection = gts - jnp.cumsum(gt_sorted)
    union = gts + jnp.cumsum(1.0 - gt_sorted)
    jaccard = 1.0 - intersection / union
    jaccard = jnp.concatenate([jaccard[:1], jaccard[1:] - jaccard[:-1]])
    return jaccard


def _lovasz_hinge_flat(logits, targets):
    targets = targets.reshape(-1)
    logits = logits.reshape(-1)
    signs = 2.0 * targets - 1.0
    errors = 1.0 - logits * signs
    perm = jnp.argsort(-errors)  # descending sort order
    errors_sorted = errors[perm]
    gt_sorted = targets[perm]
    grad = _lovasz_grad(gt_sorted)
    return jnp.dot(jax.nn.relu(errors_sorted), grad)


def reference(inputs, targets):
    num_classes = inputs.shape[1]
    losses = []
    for c in range(num_classes):
        target_c = (targets == c).astype(jnp.float32)
        input_c = inputs[:, c]
        losses.append(_lovasz_hinge_flat(input_c, target_c))
    return jnp.mean(jnp.stack(losses))

if __name__ == "__main__":
    import jax
    _d = setup_inputs()
    print(jax.jit(kernel)(*tuple(_d.values())))

</pallas_src>

<mosaic_0001>
#map = affine_map<(d0, d1) -> (0, 0, 0, 0)>
#map1 = affine_map<(d0, d1) -> (0, 0, 0)>
module attributes {stable_mosaic.version = 14 : i64} {
  func.func @_sc_hist(%arg0: i32, %arg1: i32, %arg2: memref<8x19x384x384xf32, #tpu.memory_space<hbm>>, %arg3: memref<8x384x384xi32, #tpu.memory_space<hbm>>, %arg4: memref<32x19x4352xf32, #tpu.memory_space<hbm>>, %arg5: memref<4352xf32, #tpu.memory_space<vmem>>, %arg6: memref<2x96x384xf32, #tpu.memory_space<vmem>>, %arg7: memref<96x384xi32, #tpu.memory_space<vmem>>, %arg8: memref<!tpu.dma_semaphore, #tpu.memory_space<semaphore_mem>>) attributes {dimension_semantics = [#tpu.dimension_semantics<core_parallel>, #tpu.dimension_semantics<subcore_parallel>], iteration_bounds = array<i64: 2, 16>, scalar_prefetch = 0 : i64, scratch_operands = 4 : i64, tpu.core_type = #tpu.core_type<sc_vector_subcore>, window_params = [{transform_indices = #map}, {transform_indices = #map1}, {transform_indices = #map1}]} {
    %mul3A = arith.constant 2 : i32
    %mul3A_0 = arith.muli %arg1, %mul3A : i32
    %add3A = arith.addi %mul3A_0, %arg0 : i32
    %mul3A_1 = arith.constant 12 : i32
    %mul3A_2 = arith.muli %add3A, %mul3A_1 : i32
    %dma_start3A = arith.constant 0 : i32
    %dma_start3A_3 = arith.constant 0 : i32
    %dma_start3A_4 = arith.constant 0 : i32
    %dma_start3A_5 = tpu.memref_slice %arg7[%dma_start3A_3, %dma_start3A_4] : memref<96x384xi32, #tpu.memory_space<vmem>> -> memref<12x384xi32, #tpu.memory_space<vmem>>
    %dma_start3A_6 = arith.constant 0 : i32
    %dma_start3A_7 = tpu.memref_slice %arg3[%dma_start3A, %mul3A_2, %dma_start3A_6] : memref<8x384x384xi32, #tpu.memory_space<hbm>> -> memref<1x12x384xi32, #tpu.memory_space<hbm>>
    %dma_start3A_8 = tpu.memref_squeeze %dma_start3A_7 : memref<1x12x384xi32, #tpu.memory_space<hbm>> -> memref<12x384xi32, #tpu.memory_space<hbm>>
    %dma_start3A_9 = arith.constant 0 : i32
    %dma_start3A_10 = arith.constant 0 : i32
    %dma_start3A_11 = tpu.memref_slice %arg7[%dma_start3A_9, %dma_start3A_10] : memref<96x384xi32, #tpu.memory_space<vmem>> -> memref<12x384xi32, #tpu.memory_space<vmem>>
    %dma_start3A_12 = arith.constant 0 : i32
    %dma_start3A_13 = tpu.memref_slice %arg3[%dma_start3A, %mul3A_2, %dma_start3A_12] : memref<8x384x384xi32, #tpu.memory_space<hbm>> -> memref<1x12x384xi32, #tpu.memory_space<hbm>>
    %dma_start3A_14 = tpu.memref_squeeze %dma_start3A_13 : memref<1x12x384xi32, #tpu.memory_space<hbm>> -> memref<12x384xi32, #tpu.memory_space<hbm>>
    tpu.enqueue_dma source(%dma_start3A_14 : memref<12x384xi32, #tpu.memory_space<hbm>>) target(%dma_start3A_11 : memref<12x384xi32, #tpu.memory_space<vmem>>) target_semaphore(%arg8 : memref<!tpu.dma_semaphore, #tpu.memory_space<semaphore_mem>>)
    %dma_start3A_15 = arith.constant 1 : i32
    %dma_start3A_16 = arith.constant 12 : i32
    %dma_start3A_17 = arith.constant 0 : i32
    %dma_start3A_18 = tpu.memref_slice %arg7[%dma_start3A_16, %dma_start3A_17] : memref<96x384xi32, #tpu.memory_space<vmem>> -> memref<12x384xi32, #tpu.memory_space<vmem>>
    %dma_start3A_19 = arith.constant 0 : i32
    %dma_start3A_20 = tpu.memref_slice %arg3[%dma_start3A_15, %mul3A_2, %dma_start3A_19] : memref<8x384x384xi32, #tpu.memory_space<hbm>> -> memref<1x12x384xi32, #tpu.memory_space<hbm>>
    %dma_start3A_21 = tpu.memref_squeeze %dma_start3A_20 : memref<1x12x384xi32, #tpu.memory_space<hbm>> -> memref<12x384xi32, #tpu.memory_space<hbm>>
    %dma_start3A_22 = arith.constant 12 : i32
    %dma_start3A_23 = arith.constant 0 : i32
    %dma_start3A_24 = tpu.memref_slice %arg7[%dma_start3A_22, %dma_start3A_23] : memref<96x384xi32, #tpu.memory_space<vmem>> -> memref<12x384xi32, #tpu.memory_space<vmem>>
    %dma_start3A_25 = arith.constant 0 : i32
    %dma_start3A_26 = tpu.memref_slice %arg3[%dma_start3A_15, %mul3A_2, %dma_start3A_25] : memref<8x384x384xi32, #tpu.memory_space<hbm>> -> memref<1x12x384xi32, #tpu.memory_space<hbm>>
    %dma_start3A_27 = tpu.memref_squeeze %dma_start3A_26 : memref<1x12x384xi32, #tpu.memory_space<hbm>> -> memref<12x384xi32, #tpu.memory_space<hbm>>
    tpu.enqueue_dma source(%dma_start3A_27 : memref<12x384xi32, #tpu.memory_space<hbm>>) target(%dma_start3A_24 : memref<12x384xi32, #tpu.memory_space<vmem>>) target_semaphore(%arg8 : memref<!tpu.dma_semaphore, #tpu.memory_space<semaphore_mem>>)
    %dma_start3A_28 = arith.constant 2 : i32
    %dma_start3A_29 = arith.constant 24 : i32
    %dma_start3A_30 = arith.constant 0 : i32
    %dma_start3A_31 = tpu.memref_slice %arg7[%dma_start3A_29, %dma_start3A_30] : memref<96x384xi32, #tpu.memory_space<vmem>> -> memref<12x384xi32, #tpu.memory_space<vmem>>
    %dma_start3A_32 = arith.constant 0 : i32
    %dma_start3A_33 = tpu.memref_slice %arg3[%dma_start3A_28, %mul3A_2, %dma_start3A_32] : memref<8x384x384xi32, #tpu.memory_space<hbm>> -> memref<1x12x384xi32, #tpu.memory_space<hbm>>
    %dma_start3A_34 = tpu.memref_squeeze %dma_start3A_33 : memref<1x12x384xi32, #tpu.memory_space<hbm>> -> memref<12x384xi32, #tpu.memory_space<hbm>>
    %dma_start3A_35 = arith.constant 24 : i32
    %dma_start3A_36 = arith.constant 0 : i32
    %dma_start3A_37 = tpu.memref_slice %arg7[%dma_start3A_35, %dma_start3A_36] : memref<96x384xi32, #tpu.memory_space<vmem>> -> memref<12x384xi32, #tpu.memory_space<vmem>>
    %dma_start3A_38 = arith.constant 0 : i32
    %dma_start3A_39 = tpu.memref_slice %arg3[%dma_start3A_28, %mul3A_2, %dma_start3A_38] : memref<8x384x384xi32, #tpu.memory_space<hbm>> -> memref<1x12x384xi32, #tpu.memory_space<hbm>>
    %dma_start3A_40 = tpu.memref_squeeze %dma_start3A_39 : memref<1x12x384xi32, #tpu.memory_space<hbm>> -> memref<12x384xi32, #tpu.memory_space<hbm>>
    tpu.enqueue_dma source(%dma_start3A_40 : memref<12x384xi32, #tpu.memory_space<hbm>>) target(%dma_start3A_37 : memref<12x384xi32, #tpu.memory_space<vmem>>) target_semaphore(%arg8 : memref<!tpu.dma_semaphore, #tpu.memory_space<semaphore_mem>>)
    %dma_start3A_41 = arith.constant 3 : i32
    %dma_start3A_42 = arith.constant 36 : i32
    %dma_start3A_43 = arith.constant 0 : i32
    %dma_start3A_44 = tpu.memref_slice %arg7[%dma_start3A_42, %dma_start3A_43] : memref<96x384xi32, #tpu.memory_space<vmem>> -> memref<12x384xi32, #tpu.memory_space<vmem>>
    %dma_start3A_45 = arith.constant 0 : i32
    %dma_start3A_46 = tpu.memref_slice %arg3[%dma_start3A_41, %mul3A_2, %dma_start3A_45] : memref<8x384x384xi32, #tpu.memory_space<hbm>> -> memref<1x12x384xi32, #tpu.memory_space<hbm>>
    %dma_start3A_47 = tpu.memref_squeeze %dma_start3A_46 : memref<1x12x384xi32, #tpu.memory_space<hbm>> -> memref<12x384xi32, #tpu.memory_space<hbm>>
    %dma_start3A_48 = arith.constant 36 : i32
    %dma_start3A_49 = arith.constant 0 : i32
    %dma_start3A_50 = tpu.memref_slice %arg7[%dma_start3A_48, %dma_start3A_49] : memref<96x384xi32, #tpu.memory_space<vmem>> -> memref<12x384xi32, #tpu.memory_space<vmem>>
    %dma_start3A_51 = arith.constant 0 : i32
    %dma_start3A_52 = tpu.memref_slice %arg3[%dma_start3A_41, %mul3A_2, %dma_start3A_51] : memref<8x384x384xi32, #tpu.memory_space<hbm>> -> memref<1x12x384xi32, #tpu.memory_space<hbm>>
    %dma_start3A_53 = tpu.memref_squeeze %dma_start3A_52 : memref<1x12x384xi32, #tpu.memory_space<hbm>> -> memref<12x384xi32, #tpu.memory_space<hbm>>
    tpu.enqueue_dma source(%dma_start3A_53 : memref<12x384xi32, #tpu.memory_space<hbm>>) target(%dma_start3A_50 : memref<12x384xi32, #tpu.memory_space<vmem>>) target_semaphore(%arg8 : memref<!tpu.dma_semaphore, #tpu.memory_space<semaphore_mem>>)
    %dma_start3A_54 = arith.constant 4 : i32
    %dma_start3A_55 = arith.constant 48 : i32
    %dma_start3A_56 = arith.constant 0 : i32
    %dma_start3A_57 = tpu.memref_slice %arg7[%dma_start3A_55, %dma_start3A_56] : memref<96x384xi32, #tpu.memory_space<vmem>> -> memref<12x384xi32, #tpu.memory_space<vmem>>
    %dma_start3A_58 = arith.constant 0 : i32
    %dma_start3A_59 = tpu.memref_slice %arg3[%dma_start3A_54, %mul3A_2, %dma_start3A_58] : memref<8x384x384xi32, #tpu.memory_space<hbm>> -> memref<1x12x384xi32, #tpu.memory_space<hbm>>
    %dma_start3A_60 = tpu.memref_squeeze %dma_start3A_59 : memref<1x12x384xi32, #tpu.memory_space<hbm>> -> memref<12x384xi32, #tpu.memory_space<hbm>>
    %dma_start3A_61 = arith.constant 48 : i32
    %dma_start3A_62 = arith.constant 0 : i32
    %dma_start3A_63 = tpu.memref_slice %arg7[%dma_start3A_61, %dma_start3A_62] : memref<96x384xi32, #tpu.memory_space<vmem>> -> memref<12x384xi32, #tpu.memory_space<vmem>>
    %dma_start3A_64 = arith.constant 0 : i32
    %dma_start3A_65 = tpu.memref_slice %arg3[%dma_start3A_54, %mul3A_2, %dma_start3A_64] : memref<8x384x384xi32, #tpu.memory_space<hbm>> -> memref<1x12x384xi32, #tpu.memory_space<hbm>>
    %dma_start3A_66 = tpu.memref_squeeze %dma_start3A_65 : memref<1x12x384xi32, #tpu.memory_space<hbm>> -> memref<12x384xi32, #tpu.memory_space<hbm>>
    tpu.enqueue_dma source(%dma_start3A_66 : memref<12x384xi32, #tpu.memory_space<hbm>>) target(%dma_start3A_63 : memref<12x384xi32, #tpu.memory_space<vmem>>) target_semaphore(%arg8 : memref<!tpu.dma_semaphore, #tpu.memory_space<semaphore_mem>>)
    %dma_start3A_67 = arith.constant 5 : i32
    %dma_start3A_68 = arith.constant 60 : i32
    %dma_start3A_69 = arith.constant 0 : i32
    %dma_start3A_70 = tpu.memref_slice %arg7[%dma_start3A_68, %dma_start3A_69] : memref<96x384xi32, #tpu.memory_space<vmem>> -> memref<12x384xi32, #tpu.memory_space<vmem>>
    %dma_start3A_71 = arith.constant 0 : i32
    %dma_start3A_72 = tpu.memref_slice %arg3[%dma_start3A_67, %mul3A_2, %dma_start3A_71] : memref<8x384x384xi32, #tpu.memory_space<hbm>> -> memref<1x12x384xi32, #tpu.memory_space<hbm>>
    %dma_start3A_73 = tpu.memref_squeeze %dma_start3A_72 : memref<1x12x384xi32, #tpu.memory_space<hbm>> -> memref<12x384xi32, #tpu.memory_space<hbm>>
    %dma_start3A_74 = arith.constant 60 : i32
    %dma_start3A_75 = arith.constant 0 : i32
    %dma_start3A_76 = tpu.memref_slice %arg7[%dma_start3A_74, %dma_start3A_75] : memref<96x384xi32, #tpu.memory_space<vmem>> -> memref<12x384xi32, #tpu.memory_space<vmem>>
    %dma_start3A_77 = arith.constant 0 : i32
    %dma_start3A_78 = tpu.memref_slice %arg3[%dma_start3A_67, %mul3A_2, %dma_start3A_77] : memref<8x384x384xi32, #tpu.memory_space<hbm>> -> memref<1x12x384xi32, #tpu.memory_space<hbm>>
    %dma_start3A_79 = tpu.memref_squeeze %dma_start3A_78 : memref<1x12x384xi32, #tpu.memory_space<hbm>> -> memref<12x384xi32, #tpu.memory_space<hbm>>
    tpu.enqueue_dma source(%dma_start3A_79 : memref<12x384xi32, #tpu.memory_space<hbm>>) target(%dma_start3A_76 : memref<12x384xi32, #tpu.memory_space<vmem>>) target_semaphore(%arg8 : memref<!tpu.dma_semaphore, #tpu.memory_space<semaphore_mem>>)
    %dma_start3A_80 = arith.constant 6 : i32
    %dma_start3A_81 = arith.constant 72 : i32
    %dma_start3A_82 = arith.constant 0 : i32
    %dma_start3A_83 = tpu.memref_slice %arg7[%dma_start3A_81, %dma_start3A_82] : memref<96x384xi32, #tpu.memory_space<vmem>> -> memref<12x384xi32, #tpu.memory_space<vmem>>
    %dma_start3A_84 = arith.constant 0 : i32
    %dma_start3A_85 = tpu.memref_slice %arg3[%dma_start3A_80, %mul3A_2, %dma_start3A_84] : memref<8x384x384xi32, #tpu.memory_space<hbm>> -> memref<1x12x384xi32, #tpu.memory_space<hbm>>
    %dma_start3A_86 = tpu.memref_squeeze %dma_start3A_85 : memref<1x12x384xi32, #tpu.memory_space<hbm>> -> memref<12x384xi32, #tpu.memory_space<hbm>>
    %dma_start3A_87 = arith.constant 72 : i32
    %dma_start3A_88 = arith.constant 0 : i32
    %dma_start3A_89 = tpu.memref_slice %arg7[%dma_start3A_87, %dma_start3A_88] : memref<96x384xi32, #tpu.memory_space<vmem>> -> memref<12x384xi32, #tpu.memory_space<vmem>>
    %dma_start3A_90 = arith.constant 0 : i32
    %dma_start3A_91 = tpu.memref_slice %arg3[%dma_start3A_80, %mul3A_2, %dma_start3A_90] : memref<8x384x384xi32, #tpu.memory_space<hbm>> -> memref<1x12x384xi32, #tpu.memory_space<hbm>>
    %dma_start3A_92 = tpu.memref_squeeze %dma_start3A_91 : memref<1x12x384xi32, #tpu.memory_space<hbm>> -> memref<12x384xi32, #tpu.memory_space<hbm>>
    tpu.enqueue_dma source(%dma_start3A_92 : memref<12x384xi32, #tpu.memory_space<hbm>>) target(%dma_start3A_89 : memref<12x384xi32, #tpu.memory_space<vmem>>) target_semaphore(%arg8 : memref<!tpu.dma_semaphore, #tpu.memory_space<semaphore_mem>>)
    %dma_start3A_93 = arith.constant 7 : i32
    %dma_start3A_94 = arith.constant 84 : i32
    %dma_start3A_95 = arith.constant 0 : i32
    %dma_start3A_96 = tpu.memref_slice %arg7[%dma_start3A_94, %dma_start3A_95] : memref<96x384xi32, #tpu.memory_space<vmem>> -> memref<12x384xi32, #tpu.memory_space<vmem>>
    %dma_start3A_97 = arith.constant 0 : i32
    %dma_start3A_98 = tpu.memref_slice %arg3[%dma_start3A_93, %mul3A_2, %dma_start3A_97] : memref<8x384x384xi32, #tpu.memory_space<hbm>> -> memref<1x12x384xi32, #tpu.memory_space<hbm>>
    %dma_start3A_99 = tpu.memref_squeeze %dma_start3A_98 : memref<1x12x384xi32, #tpu.memory_space<hbm>> -> memref<12x384xi32, #tpu.memory_space<hbm>>
    %dma_start3A_100 = arith.constant 84 : i32
    %dma_start3A_101 = arith.constant 0 : i32
    %dma_start3A_102 = tpu.memref_slice %arg7[%dma_start3A_100, %dma_start3A_101] : memref<96x384xi32, #tpu.memory_space<vmem>> -> memref<12x384xi32, #tpu.memory_space<vmem>>
    %dma_start3A_103 = arith.constant 0 : i32
    %dma_start3A_104 = tpu.memref_slice %arg3[%dma_start3A_93, %mul3A_2, %dma_start3A_103] : memref<8x384x384xi32, #tpu.memory_space<hbm>> -> memref<1x12x384xi32, #tpu.memory_space<hbm>>
    %dma_start3A_105 = tpu.memref_squeeze %dma_start3A_104 : memref<1x12x384xi32, #tpu.memory_space<hbm>> -> memref<12x384xi32, #tpu.memory_space<hbm>>
    tpu.enqueue_dma source(%dma_start3A_105 : memref<12x384xi32, #tpu.memory_space<hbm>>) target(%dma_start3A_102 : memref<12x384xi32, #tpu.memory_space<vmem>>) target_semaphore(%arg8 : memref<!tpu.dma_semaphore, #tpu.memory_space<semaphore_mem>>)
    %dma_start3A_106 = arith.constant 0 : i32
    %dma_start3A_107 = arith.constant 0 : i32
    %dma_start3A_108 = arith.constant 0 : i32
    %dma_start3A_109 = arith.constant 0 : i32
    %dma_start3A_110 = arith.constant 0 : i32
    %dma_start3A_111 = tpu.memref_slice %arg6[%dma_start3A_108, %dma_start3A_109, %dma_start3A_110] : memref<2x96x384xf32, #tpu.memory_space<vmem>> -> memref<1x12x384xf32, #tpu.memory_space<vmem>>
    %dma_start3A_112 = tpu.memref_squeeze %dma_start3A_111 : memref<1x12x384xf32, #tpu.memory_space<vmem>> -> memref<12x384xf32, #tpu.memory_space<vmem>>
    %dma_start3A_113 = arith.constant 0 : i32
    %dma_start3A_114 = tpu.memref_slice %arg2[%dma_start3A_106, %dma_start3A_107, %mul3A_2, %dma_start3A_113] : memref<8x19x384x384xf32, #tpu.memory_space<hbm>> -> memref<1x1x12x384xf32, #tpu.memory_space<hbm>>
    %dma_start3A_115 = tpu.memref_squeeze %dma_start3A_114 : memref<1x1x12x384xf32, #tpu.memory_space<hbm>> -> memref<12x384xf32, #tpu.memory_space<hbm>>
    %dma_start3A_116 = arith.constant 0 : i32
    %dma_start3A_117 = arith.constant 0 : i32
    %dma_start3A_118 = tpu.memref_slice %arg6[%dma_start3A_108, %dma_start3A_116, %dma_start3A_117] : memref<2x96x384xf32, #tpu.memory_space<vmem>> -> memref<1x12x384xf32, #tpu.memory_space<vmem>>
    %dma_start3A_119 = tpu.memref_squeeze %dma_start3A_118 : memref<1x12x384xf32, #tpu.memory_space<vmem>> -> memref<12x384xf32, #tpu.memory_space<vmem>>
    %dma_start3A_120 = arith.constant 0 : i32
    %dma_start3A_121 = tpu.memref_slice %arg2[%dma_start3A_106, %dma_start3A_107, %mul3A_2, %dma_start3A_120] : memref<8x19x384x384xf32, #tpu.memory_space<hbm>> -> memref<1x1x12x384xf32, #tpu.memory_space<hbm>>
    %dma_start3A_122 = tpu.memref_squeeze %dma_start3A_121 : memref<1x1x12x384xf32, #tpu.memory_space<hbm>> -> memref<12x384xf32, #tpu.memory_space<hbm>>
    tpu.enqueue_dma source(%dma_start3A_122 : memref<12x384xf32, #tpu.memory_space<hbm>>) target(%dma_start3A_119 : memref<12x384xf32, #tpu.memory_space<vmem>>) target_semaphore(%arg8 : memref<!tpu.dma_semaphore, #tpu.memory_space<semaphore_mem>>)
    %dma_start3A_123 = arith.constant 1 : i32
    %dma_start3A_124 = arith.constant 0 : i32
    %dma_start3A_125 = arith.constant 0 : i32
    %dma_start3A_126 = arith.constant 12 : i32
    %dma_start3A_127 = arith.constant 0 : i32
    %dma_start3A_128 = tpu.memref_slice %arg6[%dma_start3A_125, %dma_start3A_126, %dma_start3A_127] : memref<2x96x384xf32, #tpu.memory_space<vmem>> -> memref<1x12x384xf32, #tpu.memory_space<vmem>>
    %dma_start3A_129 = tpu.memref_squeeze %dma_start3A_128 : memref<1x12x384xf32, #tpu.memory_space<vmem>> -> memref<12x384xf32, #tpu.memory_space<vmem>>
    %dma_start3A_130 = arith.constant 0 : i32
    %dma_start3A_131 = tpu.memref_slice %arg2[%dma_start3A_123, %dma_start3A_124, %mul3A_2, %dma_start3A_130] : memref<8x19x384x384xf32, #tpu.memory_space<hbm>> -> memref<1x1x12x384xf32, #tpu.memory_space<hbm>>
    %dma_start3A_132 = tpu.memref_squeeze %dma_start3A_131 : memref<1x1x12x384xf32, #tpu.memory_space<hbm>> -> memref<12x384xf32, #tpu.memory_space<hbm>>
    %dma_start3A_133 = arith.constant 12 : i32
    %dma_start3A_134 = arith.constant 0 : i32
    %dma_start3A_135 = tpu.memref_slice %arg6[%dma_start3A_125, %dma_start3A_133, %dma_start3A_134] : memref<2x96x384xf32, #tpu.memory_space<vmem>> -> memref<1x12x384xf32, #tpu.memory_space<vmem>>
    %dma_start3A_136 = tpu.memref_squeeze %dma_start3A_135 : memref<1x12x384xf32, #tpu.memory_space<vmem>> -> memref<12x384xf32, #tpu.memory_space<vmem>>
    %dma_start3A_137 = arith.constant 0 : i32
    %dma_start3A_138 = tpu.memref_slice %arg2[%dma_start3A_123, %dma_start3A_124, %mul3A_2, %dma_start3A_137] : memref<8x19x384x384xf32, #tpu.memory_space<hbm>> -> memref<1x1x12x384xf32, #tpu.memory_space<hbm>>
    %dma_start3A_139 = tpu.memref_squeeze %dma_start3A_138 : memref<1x1x12x384xf32, #tpu.memory_space<hbm>> -> memref<12x384xf32, #tpu.memory_space<hbm>>
    tpu.enqueue_dma source(%dma_start3A_139 : memref<12x384xf32, #tpu.memory_space<hbm>>) target(%dma_start3A_136 : memref<12x384xf32, #tpu.memory_space<vmem>>) target_semaphore(%arg8 : memref<!tpu.dma_semaphore, #tpu.memory_space<semaphore_mem>>)
    %dma_start3A_140 = arith.constant 2 : i32
    %dma_start3A_141 = arith.constant 0 : i32
    %dma_start3A_142 = arith.constant 0 : i32
    %dma_start3A_143 = arith.constant 24 : i32
    %dma_start3A_144 = arith.constant 0 : i32
    %dma_start3A_145 = tpu.memref_slice %arg6[%dma_start3A_142, %dma_start3A_143, %dma_start3A_144] : memref<2x96x384xf32, #tpu.memory_space<vmem>> -> memref<1x12x384xf32, #tpu.memory_space<vmem>>
    %dma_start3A_146 = tpu.memref_squeeze %dma_start3A_145 : memref<1x12x384xf32, #tpu.memory_space<vmem>> -> memref<12x384xf32, #tpu.memory_space<vmem>>
    %dma_start3A_147 = arith.constant 0 : i32
    %dma_start3A_148 = tpu.memref_slice %arg2[%dma_start3A_140, %dma_start3A_141, %mul3A_2, %dma_start3A_147] : memref<8x19x384x384xf32, #tpu.memory_space<hbm>> -> memref<1x1x12x384xf32, #tpu.memory_space<hbm>>
    %dma_start3A_149 = tpu.memref_squeeze %dma_start3A_148 : memref<1x1x12x384xf32, #tpu.memory_space<hbm>> -> memref<12x384xf32, #tpu.memory_space<hbm>>
    %dma_start3A_150 = arith.constant 24 : i32
    %dma_start3A_151 = arith.constant 0 : i32
    %dma_start3A_152 = tpu.memref_slice %arg6[%dma_start3A_142, %dma_start3A_150, %dma_start3A_151] : memref<2x96x384xf32, #tpu.memory_space<vmem>> -> memref<1x12x384xf32, #tpu.memory_space<vmem>>
    %dma_start3A_153 = tpu.memref_squeeze %dma_start3A_152 : memref<1x12x384xf32, #tpu.memory_space<vmem>> -> memref<12x384xf32, #tpu.memory_space<vmem>>
    %dma_start3A_154 = arith.constant 0 : i32
    %dma_start3A_155 = tpu.memref_slice %arg2[%dma_start3A_140, %dma_start3A_141, %mul3A_2, %dma_start3A_154] : memref<8x19x384x384xf32, #tpu.memory_space<hbm>> -> memref<1x1x12x384xf32, #tpu.memory_space<hbm>>
    %dma_start3A_156 = tpu.memref_squeeze %dma_start3A_155 : memref<1x1x12x384xf32, #tpu.memory_space<hbm>> -> memref<12x384xf32, #tpu.memory_space<hbm>>
    tpu.enqueue_dma source(%dma_start3A_156 : memref<12x384xf32, #tpu.memory_space<hbm>>) target(%dma_start3A_153 : memref<12x384xf32, #tpu.memory_space<vmem>>) target_semaphore(%arg8 : memref<!tpu.dma_semaphore, #tpu.memory_space<semaphore_mem>>)
    %dma_start3A_157 = arith.constant 3 : i32
    %dma_start3A_158 = arith.constant 0 : i32
    %dma_start3A_159 = arith.constant 0 : i32
    %dma_start3A_160 = arith.constant 36 : i32
    %dma_start3A_161 = arith.constant 0 : i32
    %dma_start3A_162 = tpu.memref_slice %arg6[%dma_start3A_159, %dma_start3A_160, %dma_start3A_161] : memref<2x96x384xf32, #tpu.memory_space<vmem>> -> memref<1x12x384xf32, #tpu.memory_space<vmem>>
    %dma_start3A_163 = tpu.memref_squeeze %dma_start3A_162 : memref<1x12x384xf32, #tpu.memory_space<vmem>> -> memref<12x384xf32, #tpu.memory_space<vmem>>
    %dma_start3A_164 = arith.constant 0 : i32
    %dma_start3A_165 = tpu.memref_slice %arg2[%dma_start3A_157, %dma_start3A_158, %mul3A_2, %dma_start3A_164] : memref<8x19x384x384xf32, #tpu.memory_space<hbm>> -> memref<1x1x12x384xf32, #tpu.memory_space<hbm>>
    %dma_start3A_166 = tpu.memref_squeeze %dma_start3A_165 : memref<1x1x12x384xf32, #tpu.memory_space<hbm>> -> memref<12x384xf32, #tpu.memory_space<hbm>>
    %dma_start3A_167 = arith.constant 36 : i32
    %dma_start3A_168 = arith.constant 0 : i32
    %dma_start3A_169 = tpu.memref_slice %arg6[%dma_start3A_159, %dma_start3A_167, %dma_start3A_168] : memref<2x96x384xf32, #tpu.memory_space<vmem>> -> memref<1x12x384xf32, #tpu.memory_space<vmem>>
    %dma_start3A_170 = tpu.memref_squeeze %dma_start3A_169 : memref<1x12x384xf32, #tpu.memory_space<vmem>> -> memref<12x384xf32, #tpu.memory_space<vmem>>
    %dma_start3A_171 = arith.constant 0 : i32
    %dma_start3A_172 = tpu.memref_slice %arg2[%dma_start3A_157, %dma_start3A_158, %mul3A_2, %dma_start3A_171] : memref<8x19x384x384xf32, #tpu.memory_space<hbm>> -> memref<1x1x12x384xf32, #tpu.memory_space<hbm>>
    %dma_start3A_173 = tpu.memref_squeeze %dma_start3A_172 : memref<1x1x12x384xf32, #tpu.memory_space<hbm>> -> memref<12x384xf32, #tpu.memory_space<hbm>>
    tpu.enqueue_dma source(%dma_start3A_173 : memref<12x384xf32, #tpu.memory_space<hbm>>) target(%dma_start3A_170 : memref<12x384xf32, #tpu.memory_space<vmem>>) target_semaphore(%arg8 : memref<!tpu.dma_semaphore, #tpu.memory_space<semaphore_mem>>)
    %dma_start3A_174 = arith.constant 4 : i32
    %dma_start3A_175 = arith.constant 0 : i32
    %dma_start3A_176 = arith.constant 0 : i32
    %dma_start3A_177 = arith.constant 48 : i32
    %dma_start3A_178 = arith.constant 0 : i32
    %dma_start3A_179 = tpu.memref_slice %arg6[%dma_start3A_176, %dma_start3A_177, %dma_start3A_178] : memref<2x96x384xf32, #tpu.memory_space<vmem>> -> memref<1x12x384xf32, #tpu.memory_space<vmem>>
    %dma_start3A_180 = tpu.memref_squeeze %dma_start3A_179 : memref<1x12x384xf32, #tpu.memory_space<vmem>> -> memref<12x384xf32, #tpu.memory_space<vmem>>
    %dma_start3A_181 = arith.constant 0 : i32
    %dma_start3A_182 = tpu.memref_slice %arg2[%dma_start3A_174, %dma_start3A_175, %mul3A_2, %dma_start3A_181] : memref<8x19x384x384xf32, #tpu.memory_space<hbm>> -> memref<1x1x12x384xf32, #tpu.memory_space<hbm>>
    %dma_start3A_183 = tpu.memref_squeeze %dma_start3A_182 : memref<1x1x12x384xf32, #tpu.memory_space<hbm>> -> memref<12x384xf32, #tpu.memory_space<hbm>>
    %dma_start3A_184 = arith.constant 48 : i32
    %dma_start3A_185 = arith.constant 0 : i32
    %dma_start3A_186 = tpu.memref_slice %arg6[%dma_start3A_176, %dma_start3A_184, %dma_start3A_185] : memref<2x96x384xf32, #tpu.memory_space<vmem>> -> memref<1x12x384xf32, #tpu.memory_space<vmem>>
    %dma_start3A_187 = tpu.memref_squeeze %dma_start3A_186 : memref<1x12x384xf32, #tpu.memory_space<vmem>> -> memref<12x384xf32, #tpu.memory_space<vmem>>
    %dma_start3A_188 = arith.constant 0 : i32
    %dma_start3A_189 = tpu.memref_slice %arg2[%dma_start3A_174, %dma_start3A_175, %mul3A_2, %dma_start3A_188] : memref<8x19x384x384xf32, #tpu.memory_space<hbm>> -> memref<1x1x12x384xf32, #tpu.memory_space<hbm>>
    %dma_start3A_190 = tpu.memref_squeeze %dma_start3A_189 : memref<1x1x12x384xf32, #tpu.memory_space<hbm>> -> memref<12x384xf32, #tpu.memory_space<hbm>>
    tpu.enqueue_dma source(%dma_start3A_190 : memref<12x384xf32, #tpu.memory_space<hbm>>) target(%dma_start3A_187 : memref<12x384xf32, #tpu.memory_space<vmem>>) target_semaphore(%arg8 : memref<!tpu.dma_semaphore, #tpu.memory_space<semaphore_mem>>)
    %dma_start3A_191 = arith.constant 5 : i32
    %dma_start3A_192 = arith.constant 0 : i32
    %dma_start3A_193 = arith.constant 0 : i32
    %dma_start3A_194 = arith.constant 60 : i32
    %dma_start3A_195 = arith.constant 0 : i32
    %dma_start3A_196 = tpu.memref_slice %arg6[%dma_start3A_193, %dma_start3A_194, %dma_start3A_195] : memref<2x96x384xf32, #tpu.memory_space<vmem>> -> memref<1x12x384xf32, #tpu.memory_space<vmem>>
    %dma_start3A_197 = tpu.memref_squeeze %dma_start3A_196 : memref<1x12x384xf32, #tpu.memory_space<vmem>> -> memref<12x384xf32, #tpu.memory_space<vmem>>
    %dma_start3A_198 = arith.constant 0 : i32
    %dma_start3A_199 = tpu.memref_slice %arg2[%dma_start3A_191, %dma_start3A_192, %mul3A_2, %dma_start3A_198] : memref<8x19x384x384xf32, #tpu.memory_space<hbm>> -> memref<1x1x12x384xf32, #tpu.memory_space<hbm>>
    %dma_start3A_200 = tpu.memref_squeeze %dma_start3A_199 : memref<1x1x12x384xf32, #tpu.memory_space<hbm>> -> memref<12x384xf32, #tpu.memory_space<hbm>>
    %dma_start3A_201 = arith.constant 60 : i32
    %dma_start3A_202 = arith.constant 0 : i32
    %dma_start3A_203 = tpu.memref_slice %arg6[%dma_start3A_193, %dma_start3A_201, %dma_start3A_202] : memref<2x96x384xf32, #tpu.memory_space<vmem>> -> memref<1x12x384xf32, #tpu.memory_space<vmem>>
    %dma_start3A_204 = tpu.memref_squeeze %dma_start3A_203 : memref<1x12x384xf32, #tpu.memory_space<vmem>> -> memref<12x384xf32, #tpu.memory_space<vmem>>
    %dma_start3A_205 = arith.constant 0 : i32
    %dma_start3A_206 = tpu.memref_slice %arg2[%dma_start3A_191, %dma_start3A_192, %mul3A_2, %dma_start3A_205] : memref<8x19x384x384xf32, #tpu.memory_space<hbm>> -> memref<1x1x12x384xf32, #tpu.memory_space<hbm>>
    %dma_start3A_207 = tpu.memref_squeeze %dma_start3A_206 : memref<1x1x12x384xf32, #tpu.memory_space<hbm>> -> memref<12x384xf32, #tpu.memory_space<hbm>>
    tpu.enqueue_dma source(%dma_start3A_207 : memref<12x384xf32, #tpu.memory_space<hbm>>) target(%dma_start3A_204 : memref<12x384xf32, #tpu.memory_space<vmem>>) target_semaphore(%arg8 : memref<!tpu.dma_semaphore, #tpu.memory_space<semaphore_mem>>)
    %dma_start3A_208 = arith.constant 6 : i32
    %dma_start3A_209 = arith.constant 0 : i32
    %dma_start3A_210 = arith.constant 0 : i32
    %dma_start3A_211 = arith.constant 72 : i32
    %dma_start3A_212 = arith.constant 0 : i32
    %dma_start3A_213 = tpu.memref_slice %arg6[%dma_start3A_210, %dma_start3A_211, %dma_start3A_212] : memref<2x96x384xf32, #tpu.memory_space<vmem>> -> memref<1x12x384xf32, #tpu.memory_space<vmem>>
    %dma_start3A_214 = tpu.memref_squeeze %dma_start3A_213 : memref<1x12x384xf32, #tpu.memory_space<vmem>> -> memref<12x384xf32, #tpu.memory_space<vmem>>
    %dma_start3A_215 = arith.constant 0 : i32
    %dma_start3A_216 = tpu.memref_slice %arg2[%dma_start3A_208, %dma_start3A_209, %mul3A_2, %dma_start3A_215] : memref<8x19x384x384xf32, #tpu.memory_space<hbm>> -> memref<1x1x12x384xf32, #tpu.memory_space<hbm>>
    %dma_start3A_217 = tpu.memref_squeeze %dma_start3A_216 : memref<1x1x12x384xf32, #tpu.memory_space<hbm>> -> memref<12x384xf32, #tpu.memory_space<hbm>>
    %dma_start3A_218 = arith.constant 72 : i32
    %dma_start3A_219 = arith.constant 0 : i32
    %dma_start3A_220 = tpu.memref_slice %arg6[%dma_start3A_210, %dma_start3A_218, %dma_start3A_219] : memref<2x96x384xf32, #tpu.memory_space<vmem>> -> memref<1x12x384xf32, #tpu.memory_space<vmem>>
    %dma_start3A_221 = tpu.memref_squeeze %dma_start3A_220 : memref<1x12x384xf32, #tpu.memory_space<vmem>> -> memref<12x384xf32, #tpu.memory_space<vmem>>
    %dma_start3A_222 = arith.constant 0 : i32
    %dma_start3A_223 = tpu.memref_slice %arg2[%dma_start3A_208, %dma_start3A_209, %mul3A_2, %dma_start3A_222] : memref<8x19x384x384xf32, #tpu.memory_space<hbm>> -> memref<1x1x12x384xf32, #tpu.memory_space<hbm>>
    %dma_start3A_224 = tpu.memref_squeeze %dma_start3A_223 : memref<1x1x12x384xf32, #tpu.memory_space<hbm>> -> memref<12x384xf32, #tpu.memory_space<hbm>>
    tpu.enqueue_dma source(%dma_start3A_224 : memref<12x384xf32, #tpu.memory_space<hbm>>) target(%dma_start3A_221 : memref<12x384xf32, #tpu.memory_space<vmem>>) target_semaphore(%arg8 : memref<!tpu.dma_semaphore, #tpu.memory_space<semaphore_mem>>)
    %dma_start3A_225 = arith.constant 7 : i32
    %dma_start3A_226 = arith.constant 0 : i32
    %dma_start3A_227 = arith.constant 0 : i32
    %dma_start3A_228 = arith.constant 84 : i32
    %dma_start3A_229 = arith.constant 0 : i32
    %dma_start3A_230 = tpu.memref_slice %arg6[%dma_start3A_227, %dma_start3A_228, %dma_start3A_229] : memref<2x96x384xf32, #tpu.memory_space<vmem>> -> memref<1x12x384xf32, #tpu.memory_space<vmem>>
    %dma_start3A_231 = tpu.memref_squeeze %dma_start3A_230 : memref<1x12x384xf32, #tpu.memory_space<vmem>> -> memref<12x384xf32, #tpu.memory_space<vmem>>
    %dma_start3A_232 = arith.constant 0 : i32
    %dma_start3A_233 = tpu.memref_slice %arg2[%dma_start3A_225, %dma_start3A_226, %mul3A_2, %dma_start3A_232] : memref<8x19x384x384xf32, #tpu.memory_space<hbm>> -> memref<1x1x12x384xf32, #tpu.memory_space<hbm>>
    %dma_start3A_234 = tpu.memref_squeeze %dma_start3A_233 : memref<1x1x12x384xf32, #tpu.memory_space<hbm>> -> memref<12x384xf32, #tpu.memory_space<hbm>>
    %dma_start3A_235 = arith.constant 84 : i32
    %dma_start3A_236 = arith.constant 0 : i32
    %dma_start3A_237 = tpu.memref_slice %arg6[%dma_start3A_227, %dma_start3A_235, %dma_start3A_236] : memref<2x96x384xf32, #tpu.memory_space<vmem>> -> memref<1x12x384xf32, #tpu.memory_space<vmem>>
    %dma_start3A_238 = tpu.memref_squeeze %dma_start3A_237 : memref<1x12x384xf32, #tpu.memory_space<vmem>> -> memref<12x384xf32, #tpu.memory_space<vmem>>
    %dma_start3A_239 = arith.constant 0 : i32
    %dma_start3A_240 = tpu.memref_slice %arg2[%dma_start3A_225, %dma_start3A_226, %mul3A_2, %dma_start3A_239] : memref<8x19x384x384xf32, #tpu.memory_space<hbm>> -> memref<1x1x12x384xf32, #tpu.memory_space<hbm>>
    %dma_start3A_241 = tpu.memref_squeeze %dma_start3A_240 : memref<1x1x12x384xf32, #tpu.memory_space<hbm>> -> memref<12x384xf32, #tpu.memory_space<hbm>>
    tpu.enqueue_dma source(%dma_start3A_241 : memref<12x384xf32, #tpu.memory_space<hbm>>) target(%dma_start3A_238 : memref<12x384xf32, #tpu.memory_space<vmem>>) target_semaphore(%arg8 : memref<!tpu.dma_semaphore, #tpu.memory_space<semaphore_mem>>)
    %dma_wait3A = arith.constant 0 : i32
    %dma_wait3A_242 = arith.constant 0 : i32
    %dma_wait3A_243 = arith.constant 0 : i32
    %dma_wait3A_244 = tpu.memref_slice %arg7[%dma_wait3A_242, %dma_wait3A_243] : memref<96x384xi32, #tpu.memory_space<vmem>> -> memref<12x384xi32, #tpu.memory_space<vmem>>
    %dma_wait3A_245 = arith.constant 0 : i32
    %dma_wait3A_246 = tpu.memref_slice %arg3[%dma_wait3A, %mul3A_2, %dma_wait3A_245] : memref<8x384x384xi32, #tpu.memory_space<hbm>> -> memref<1x12x384xi32, #tpu.memory_space<hbm>>
    %dma_wait3A_247 = tpu.memref_squeeze %dma_wait3A_246 : memref<1x12x384xi32, #tpu.memory_space<hbm>> -> memref<12x384xi32, #tpu.memory_space<hbm>>
    %dma_wait3A_248 = arith.constant 0 : i32
    %dma_wait3A_249 = arith.constant 0 : i32
    %dma_wait3A_250 = tpu.memref_slice %arg7[%dma_wait3A_248, %dma_wait3A_249] : memref<96x384xi32, #tpu.memory_space<vmem>> -> memref<12x384xi32, #tpu.memory_space<vmem>>
    %dma_wait3A_251 = arith.constant 0 : i32
    %dma_wait3A_252 = tpu.memref_slice %arg3[%dma_wait3A, %mul3A_2, %dma_wait3A_251] : memref<8x384x384xi32, #tpu.memory_space<hbm>> -> memref<1x12x384xi32, #tpu.memory_space<hbm>>
    %dma_wait3A_253 = tpu.memref_squeeze %dma_wait3A_252 : memref<1x12x384xi32, #tpu.memory_space<hbm>> -> memref<12x384xi32, #tpu.memory_space<hbm>>
    tpu.wait_dma2 semaphore(%arg8 : memref<!tpu.dma_semaphore, #tpu.memory_space<semaphore_mem>>) src(%dma_wait3A_253 : memref<12x384xi32, #tpu.memory_space<hbm>>) dst(%dma_wait3A_250 : memref<12x384xi32, #tpu.memory_space<vmem>>)
    %dma_wait3A_254 = arith.constant 1 : i32
    %dma_wait3A_255 = arith.constant 12 : i32
    %dma_wait3A_256 = arith.constant 0 : i32
    %dma_wait3A_257 = tpu.memref_slice %arg7[%dma_wait3A_255, %dma_wait3A_256] : memref<96x384xi32, #tpu.memory_space<vmem>> -> memref<12x384xi32, #tpu.memory_space<vmem>>
    %dma_wait3A_258 = arith.constant 0 : i32
    %dma_wait3A_259 = tpu.memref_slice %arg3[%dma_wait3A_254, %mul3A_2, %dma_wait3A_258] : memref<8x384x384xi32, #tpu.memory_space<hbm>> -> memref<1x12x384xi32, #tpu.memory_space<hbm>>
    %dma_wait3A_260 = tpu.memref_squeeze %dma_wait3A_259 : memref<1x12x384xi32, #tpu.memory_space<hbm>> -> memref<12x384xi32, #tpu.memory_space<hbm>>
    %dma_wait3A_261 = arith.constant 12 : i32
    %dma_wait3A_262 = arith.constant 0 : i32
    %dma_wait3A_263 = tpu.memref_slice %arg7[%dma_wait3A_261, %dma_wait3A_262] : memref<96x384xi32, #tpu.memory_space<vmem>> -> memref<12x384xi32, #tpu.memory_space<vmem>>
    %dma_wait3A_264 = arith.constant 0 : i32
    %dma_wait3A_265 = tpu.memref_slice %arg3[%dma_wait3A_254, %mul3A_2, %dma_wait3A_264] : memref<8x384x384xi32, #tpu.memory_space<hbm>> -> memref<1x12x384xi32, #tpu.memory_space<hbm>>
    %dma_wait3A_266 = tpu.memref_squeeze %dma_wait3A_265 : memref<1x12x384xi32, #tpu.memory_space<hbm>> -> memref<12x384xi32, #tpu.memory_space<hbm>>
    tpu.wait_dma2 semaphore(%arg8 : memref<!tpu.dma_semaphore, #tpu.memory_space<semaphore_mem>>) src(%dma_wait3A_266 : memref<12x384xi32, #tpu.memory_space<hbm>>) dst(%dma_wait3A_263 : memref<12x384xi32, #tpu.memory_space<vmem>>)
    %dma_wait3A_267 = arith.constant 2 : i32
    %dma_wait3A_268 = arith.constant 24 : i32
    %dma_wait3A_269 = arith.constant 0 : i32
    %dma_wait3A_270 = tpu.memref_slice %arg7[%dma_wait3A_268, %dma_wait3A_269] : memref<96x384xi32, #tpu.memory_space<vmem>> -> memref<12x384xi32, #tpu.memory_space<vmem>>
    %dma_wait3A_271 = arith.constant 0 : i32
    %dma_wait3A_272 = tpu.memref_slice %arg3[%dma_wait3A_267, %mul3A_2, %dma_wait3A_271] : memref<8x384x384xi32, #tpu.memory_space<hbm>> -> memref<1x12x384xi32, #tpu.memory_space<hbm>>
    %dma_wait3A_273 = tpu.memref_squeeze %dma_wait3A_272 : memref<1x12x384xi32, #tpu.memory_space<hbm>> -> memref<12x384xi32, #tpu.memory_space<hbm>>
    %dma_wait3A_274 = arith.constant 24 : i32
    %dma_wait3A_275 = arith.constant 0 : i32
    %dma_wait3A_276 = tpu.memref_slice %arg7[%dma_wait3A_274, %dma_wait3A_275] : memref<96x384xi32, #tpu.memory_space<vmem>> -> memref<12x384xi32, #tpu.memory_space<vmem>>
    %dma_wait3A_277 = arith.constant 0 : i32
    %dma_wait3A_278 = tpu.memref_slice %arg3[%dma_wait3A_267, %mul3A_2, %dma_wait3A_277] : memref<8x384x384xi32, #tpu.memory_space<hbm>> -> memref<1x12x384xi32, #tpu.memory_space<hbm>>
    %dma_wait3A_279 = tpu.memref_squeeze %dma_wait3A_278 : memref<1x12x384xi32, #tpu.memory_space<hbm>> -> memref<12x384xi32, #tpu.memory_space<hbm>>
    tpu.wait_dma2 semaphore(%arg8 : memref<!tpu.dma_semaphore, #tpu.memory_space<semaphore_mem>>) src(%dma_wait3A_279 : memref<12x384xi32, #tpu.memory_space<hbm>>) dst(%dma_wait3A_276 : memref<12x384xi32, #tpu.memory_space<vmem>>)
    %dma_wait3A_280 = arith.constant 3 : i32
    %dma_wait3A_281 = arith.constant 36 : i32
    %dma_wait3A_282 = arith.constant 0 : i32
    %dma_wait3A_283 = tpu.memref_slice %arg7[%dma_wait3A_281, %dma_wait3A_282] : memref<96x384xi32, #tpu.memory_space<vmem>> -> memref<12x384xi32, #tpu.memory_space<vmem>>
    %dma_wait3A_284 = arith.constant 0 : i32
    %dma_wait3A_285 = tpu.memref_slice %arg3[%dma_wait3A_280, %mul3A_2, %dma_wait3A_284] : memref<8x384x384xi32, #tpu.memory_space<hbm>> -> memref<1x12x384xi32, #tpu.memory_space<hbm>>
    %dma_wait3A_286 = tpu.memref_squeeze %dma_wait3A_285 : memref<1x12x384xi32, #tpu.memory_space<hbm>> -> memref<12x384xi32, #tpu.memory_space<hbm>>
    %dma_wait3A_287 = arith.constant 36 : i32
    %dma_wait3A_288 = arith.constant 0 : i32
    %dma_wait3A_289 = tpu.memref_slice %arg7[%dma_wait3A_287, %dma_wait3A_288] : memref<96x384xi32, #tpu.memory_space<vmem>> -> memref<12x384xi32, #tpu.memory_space<vmem>>
    %dma_wait3A_290 = arith.constant 0 : i32
    %dma_wait3A_291 = tpu.memref_slice %arg3[%dma_wait3A_280, %mul3A_2, %dma_wait3A_290] : memref<8x384x384xi32, #tpu.memory_space<hbm>> -> memref<1x12x384xi32, #tpu.memory_space<hbm>>
    %dma_wait3A_292 = tpu.memref_squeeze %dma_wait3A_291 : memref<1x12x384xi32, #tpu.memory_space<hbm>> -> memref<12x384xi32, #tpu.memory_space<hbm>>
    tpu.wait_dma2 semaphore(%arg8 : memref<!tpu.dma_semaphore, #tpu.memory_space<semaphore_mem>>) src(%dma_wait3A_292 : memref<12x384xi32, #tpu.memory_space<hbm>>) dst(%dma_wait3A_289 : memref<12x384xi32, #tpu.memory_space<vmem>>)
    %dma_wait3A_293 = arith.constant 4 : i32
    %dma_wait3A_294 = arith.constant 48 : i32
    %dma_wait3A_295 = arith.constant 0 : i32
    %dma_wait3A_296 = tpu.memref_slice %arg7[%dma_wait3A_294, %dma_wait3A_295] : memref<96x384xi32, #tpu.memory_space<vmem>> -> memref<12x384xi32, #tpu.memory_space<vmem>>
    %dma_wait3A_297 = arith.constant 0 : i32
    %dma_wait3A_298 = tpu.memref_slice %arg3[%dma_wait3A_293, %mul3A_2, %dma_wait3A_297] : memref<8x384x384xi32, #tpu.memory_space<hbm>> -> memref<1x12x384xi32, #tpu.memory_space<hbm>>
    %dma_wait3A_299 = tpu.memref_squeeze %dma_wait3A_298 : memref<1x12x384xi32, #tpu.memory_space<hbm>> -> memref<12x384xi32, #tpu.memory_space<hbm>>
    %dma_wait3A_300 = arith.constant 48 : i32
    %dma_wait3A_301 = arith.constant 0 : i32
    %dma_wait3A_302 = tpu.memref_slice %arg7[%dma_wait3A_300, %dma_wait3A_301] : memref<96x384xi32, #tpu.memory_space<vmem>> -> memref<12x384xi32, #tpu.memory_space<vmem>>
    %dma_wait3A_303 = arith.constant 0 : i32
    %dma_wait3A_304 = tpu.memref_slice %arg3[%dma_wait3A_293, %mul3A_2, %dma_wait3A_303] : memref<8x384x384xi32, #tpu.memory_space<hbm>> -> memref<1x12x384xi32, #tpu.memory_space<hbm>>
    %dma_wait3A_305 = tpu.memref_squeeze %dma_wait3A_304 : memref<1x12x384xi32, #tpu.memory_space<hbm>> -> memref<12x384xi32, #tpu.memory_space<hbm>>
    tpu.wait_dma2 semaphore(%arg8 : memref<!tpu.dma_semaphore, #tpu.memory_space<semaphore_mem>>) src(%dma_wait3A_305 : memref<12x384xi32, #tpu.memory_space<hbm>>) dst(%dma_wait3A_302 : memref<12x384xi32, #tpu.memory_space<vmem>>)
    %dma_wait3A_306 = arith.constant 5 : i32
    %dma_wait3A_307 = arith.constant 60 : i32
    %dma_wait3A_308 = arith.constant 0 : i32
    %dma_wait3A_309 = tpu.memref_slice %arg7[%dma_wait3A_307, %dma_wait3A_308] : memref<96x384xi32, #tpu.memory_space<vmem>> -> memref<12x384xi32, #tpu.memory_space<vmem>>
    %dma_wait3A_310 = arith.constant 0 : i32
    %dma_wait3A_311 = tpu.memref_slice %arg3[%dma_wait3A_306, %mul3A_2, %dma_wait3A_310] : memref<8x384x384xi32, #tpu.memory_space<hbm>> -> memref<1x12x384xi32, #tpu.memory_space<hbm>>
    %dma_wait3A_312 = tpu.memref_squeeze %dma_wait3A_311 : memref<1x12x384xi32, #tpu.memory_space<hbm>> -> memref<12x384xi32, #tpu.memory_space<hbm>>
    %dma_wait3A_313 = arith.constant 60 : i32
    %dma_wait3A_314 = arith.constant 0 : i32
    %dma_wait3A_315 = tpu.memref_slice %arg7[%dma_wait3A_313, %dma_wait3A_314] : memref<96x384xi32, #tpu.memory_space<vmem>> -> memref<12x384xi32, #tpu.memory_space<vmem>>
    %dma_wait3A_316 = arith.constant 0 : i32
    %dma_wait3A_317 = tpu.memref_slice %arg3[%dma_wait3A_306, %mul3A_2, %dma_wait3A_316] : memref<8x384x384xi32, #tpu.memory_space<hbm>> -> memref<1x12x384xi32, #tpu.memory_space<hbm>>
    %dma_wait3A_318 = tpu.memref_squeeze %dma_wait3A_317 : memref<1x12x384xi32, #tpu.memory_space<hbm>> -> memref<12x384xi32, #tpu.memory_space<hbm>>
    tpu.wait_dma2 semaphore(%arg8 : memref<!tpu.dma_semaphore, #tpu.memory_space<semaphore_mem>>) src(%dma_wait3A_318 : memref<12x384xi32, #tpu.memory_space<hbm>>) dst(%dma_wait3A_315 : memref<12x384xi32, #tpu.memory_space<vmem>>)
    %dma_wait3A_319 = arith.constant 6 : i32
    %dma_wait3A_320 = arith.constant 72 : i32
    %dma_wait3A_321 = arith.constant 0 : i32
    %dma_wait3A_322 = tpu.memref_slice %arg7[%dma_wait3A_320, %dma_wait3A_321] : memref<96x384xi32, #tpu.memory_space<vmem>> -> memref<12x384xi32, #tpu.memory_space<vmem>>
    %dma_wait3A_323 = arith.constant 0 : i32
    %dma_wait3A_324 = tpu.memref_slice %arg3[%dma_wait3A_319, %mul3A_2, %dma_wait3A_323] : memref<8x384x384xi32, #tpu.memory_space<hbm>> -> memref<1x12x384xi32, #tpu.memory_space<hbm>>
    %dma_wait3A_325 = tpu.memref_squeeze %dma_wait3A_324 : memref<1x12x384xi32, #tpu.memory_space<hbm>> -> memref<12x384xi32, #tpu.memory_space<hbm>>
    %dma_wait3A_326 = arith.constant 72 : i32
    %dma_wait3A_327 = arith.constant 0 : i32
    %dma_wait3A_328 = tpu.memref_slice %arg7[%dma_wait3A_326, %dma_wait3A_327] : memref<96x384xi32, #tpu.memory_space<vmem>> -> memref<12x384xi32, #tpu.memory_space<vmem>>
    %dma_wait3A_329 = arith.constant 0 : i32
    %dma_wait3A_330 = tpu.memref_slice %arg3[%dma_wait3A_319, %mul3A_2, %dma_wait3A_329] : memref<8x384x384xi32, #tpu.memory_space<hbm>> -> memref<1x12x384xi32, #tpu.memory_space<hbm>>
    %dma_wait3A_331 = tpu.memref_squeeze %dma_wait3A_330 : memref<1x12x384xi32, #tpu.memory_space<hbm>> -> memref<12x384xi32, #tpu.memory_space<hbm>>
    tpu.wait_dma2 semaphore(%arg8 : memref<!tpu.dma_semaphore, #tpu.memory_space<semaphore_mem>>) src(%dma_wait3A_331 : memref<12x384xi32, #tpu.memory_space<hbm>>) dst(%dma_wait3A_328 : memref<12x384xi32, #tpu.memory_space<vmem>>)
    %dma_wait3A_332 = arith.constant 7 : i32
    %dma_wait3A_333 = arith.constant 84 : i32
    %dma_wait3A_334 = arith.constant 0 : i32
    %dma_wait3A_335 = tpu.memref_slice %arg7[%dma_wait3A_333, %dma_wait3A_334] : memref<96x384xi32, #tpu.memory_space<vmem>> -> memref<12x384xi32, #tpu.memory_space<vmem>>
    %dma_wait3A_336 = arith.constant 0 : i32
    %dma_wait3A_337 = tpu.memref_slice %arg3[%dma_wait3A_332, %mul3A_2, %dma_wait3A_336] : memref<8x384x384xi32, #tpu.memory_space<hbm>> -> memref<1x12x384xi32, #tpu.memory_space<hbm>>
    %dma_wait3A_338 = tpu.memref_squeeze %dma_wait3A_337 : memref<1x12x384xi32, #tpu.memory_space<hbm>> -> memref<12x384xi32, #tpu.memory_space<hbm>>
    %dma_wait3A_339 = arith.constant 84 : i32
    %dma_wait3A_340 = arith.constant 0 : i32
    %dma_wait3A_341 = tpu.memref_slice %arg7[%dma_wait3A_339, %dma_wait3A_340] : memref<96x384xi32, #tpu.memory_space<vmem>> -> memref<12x384xi32, #tpu.memory_space<vmem>>
    %dma_wait3A_342 = arith.constant 0 : i32
    %dma_wait3A_343 = tpu.memref_slice %arg3[%dma_wait3A_332, %mul3A_2, %dma_wait3A_342] : memref<8x384x384xi32, #tpu.memory_space<hbm>> -> memref<1x12x384xi32, #tpu.memory_space<hbm>>
    %dma_wait3A_344 = tpu.memref_squeeze %dma_wait3A_343 : memref<1x12x384xi32, #tpu.memory_space<hbm>> -> memref<12x384xi32, #tpu.memory_space<hbm>>
    tpu.wait_dma2 semaphore(%arg8 : memref<!tpu.dma_semaphore, #tpu.memory_space<semaphore_mem>>) src(%dma_wait3A_344 : memref<12x384xi32, #tpu.memory_space<hbm>>) dst(%dma_wait3A_341 : memref<12x384xi32, #tpu.memory_space<vmem>>)
    %broadcast_in_dim3A = arith.constant 1.000000e+00 : f32
    %broadcast_in_dim3A_345 = vector.broadcast %broadcast_in_dim3A : f32 to vector<16xf32>
    %broadcast_in_dim3A_346 = arith.constant 0.000000e+00 : f32
    %broadcast_in_dim3A_347 = vector.broadcast %broadcast_in_dim3A_346 : f32 to vector<16xf32>
    %scan3A = arith.constant 0 : i32
    %scan3A_348 = arith.constant 0 : i32
    %scan3A_349 = arith.constant 19 : i32
    %scan3A_350 = arith.addi %scan3A_348, %scan3A_349 : i32
    %scan3A_351 = arith.constant 1 : i32
    scf.for %scan3A_353 = %scan3A_348 to %scan3A_350 step %scan3A_351  : i32 {
      %and3A = arith.constant 1 : i32
      %and3A_354 = arith.andi %scan3A_353, %and3A : i32
      %dma_wait3A_355 = arith.constant 0 : i32
      %dma_wait3A_356 = arith.constant 0 : i32
      %dma_wait3A_357 = arith.constant 0 : i32
      %dma_wait3A_358 = tpu.memref_slice %arg6[%and3A_354, %dma_wait3A_356, %dma_wait3A_357] : memref<2x96x384xf32, #tpu.memory_space<vmem>> -> memref<1x12x384xf32, #tpu.memory_space<vmem>>
      %dma_wait3A_359 = tpu.memref_squeeze %dma_wait3A_358 : memref<1x12x384xf32, #tpu.memory_space<vmem>> -> memref<12x384xf32, #tpu.memory_space<vmem>>
      %dma_wait3A_360 = arith.constant 0 : i32
      %dma_wait3A_361 = tpu.memref_slice %arg2[%dma_wait3A_355, %scan3A_353, %mul3A_2, %dma_wait3A_360] : memref<8x19x384x384xf32, #tpu.memory_space<hbm>> -> memref<1x1x12x384xf32, #tpu.memory_space<hbm>>
      %dma_wait3A_362 = tpu.memref_squeeze %dma_wait3A_361 : memref<1x1x12x384xf32, #tpu.memory_space<hbm>> -> memref<12x384xf32, #tpu.memory_space<hbm>>
      %dma_wait3A_363 = arith.constant 0 : i32
      %dma_wait3A_364 = arith.constant 0 : i32
      %dma_wait3A_365 = tpu.memref_slice %arg6[%and3A_354, %dma_wait3A_363, %dma_wait3A_364] : memref<2x96x384xf32, #tpu.memory_space<vmem>> -> memref<1x12x384xf32, #tpu.memory_space<vmem>>
      %dma_wait3A_366 = tpu.memref_squeeze %dma_wait3A_365 : memref<1x12x384xf32, #tpu.memory_space<vmem>> -> memref<12x384xf32, #tpu.memory_space<vmem>>
      %dma_wait3A_367 = arith.constant 0 : i32
      %dma_wait3A_368 = tpu.memref_slice %arg2[%dma_wait3A_355, %scan3A_353, %mul3A_2, %dma_wait3A_367] : memref<8x19x384x384xf32, #tpu.memory_space<hbm>> -> memref<1x1x12x384xf32, #tpu.memory_space<hbm>>
      %dma_wait3A_369 = tpu.memref_squeeze %dma_wait3A_368 : memref<1x1x12x384xf32, #tpu.memory_space<hbm>> -> memref<12x384xf32, #tpu.memory_space<hbm>>
      tpu.wait_dma2 semaphore(%arg8 : memref<!tpu.dma_semaphore, #tpu.memory_space<semaphore_mem>>) src(%dma_wait3A_369 : memref<12x384xf32, #tpu.memory_space<hbm>>) dst(%dma_wait3A_366 : memref<12x384xf32, #tpu.memory_space<vmem>>)
      %dma_wait3A_370 = arith.constant 1 : i32
      %dma_wait3A_371 = arith.constant 12 : i32
      %dma_wait3A_372 = arith.constant 0 : i32
      %dma_wait3A_373 = tpu.memref_slice %arg6[%and3A_354, %dma_wait3A_371, %dma_wait3A_372] : memref<2x96x384xf32, #tpu.memory_space<vmem>> -> memref<1x12x384xf32, #tpu.memory_space<vmem>>
      %dma_wait3A_374 = tpu.memref_squeeze %dma_wait3A_373 : memref<1x12x384xf32, #tpu.memory_space<vmem>> -> memref<12x384xf32, #tpu.memory_space<vmem>>
      %dma_wait3A_375 = arith.constant 0 : i32
      %dma_wait3A_376 = tpu.memref_slice %arg2[%dma_wait3A_370, %scan3A_353, %mul3A_2, %dma_wait3A_375] : memref<8x19x384x384xf32, #tpu.memory_space<hbm>> -> memref<1x1x12x384xf32, #tpu.memory_space<hbm>>
      %dma_wait3A_377 = tpu.memref_squeeze %dma_wait3A_376 : memref<1x1x12x384xf32, #tpu.memory_space<hbm>> -> memref<12x384xf32, #tpu.memory_space<hbm>>
      %dma_wait3A_378 = arith.constant 12 : i32
      %dma_wait3A_379 = arith.constant 0 : i32
      %dma_wait3A_380 = tpu.memref_slice %arg6[%and3A_354, %dma_wait3A_378, %dma_wait3A_379] : memref<2x96x384xf32, #tpu.memory_space<vmem>> -> memref<1x12x384xf32, #tpu.memory_space<vmem>>
      %dma_wait3A_381 = tpu.memref_squeeze %dma_wait3A_380 : memref<1x12x384xf32, #tpu.memory_space<vmem>> -> memref<12x384xf32, #tpu.memory_space<vmem>>
      %dma_wait3A_382 = arith.constant 0 : i32
      %dma_wait3A_383 = tpu.memref_slice %arg2[%dma_wait3A_370, %scan3A_353, %mul3A_2, %dma_wait3A_382] : memref<8x19x384x384xf32, #tpu.memory_space<hbm>> -> memref<1x1x12x384xf32, #tpu.memory_space<hbm>>
      %dma_wait3A_384 = tpu.memref_squeeze %dma_wait3A_383 : memref<1x1x12x384xf32, #tpu.memory_space<hbm>> -> memref<12x384xf32, #tpu.memory_space<hbm>>
      tpu.wait_dma2 semaphore(%arg8 : memref<!tpu.dma_semaphore, #tpu.memory_space<semaphore_mem>>) src(%dma_wait3A_384 : memref<12x384xf32, #tpu.memory_space<hbm>>) dst(%dma_wait3A_381 : memref<12x384xf32, #tpu.memory_space<vmem>>)
      %dma_wait3A_385 = arith.constant 2 : i32
      %dma_wait3A_386 = arith.constant 24 : i32
      %dma_wait3A_387 = arith.constant 0 : i32
      %dma_wait3A_388 = tpu.memref_slice %arg6[%and3A_354, %dma_wait3A_386, %dma_wait3A_387] : memref<2x96x384xf32, #tpu.memory_space<vmem>> -> memref<1x12x384xf32, #tpu.memory_space<vmem>>
      %dma_wait3A_389 = tpu.memref_squeeze %dma_wait3A_388 : memref<1x12x384xf32, #tpu.memory_space<vmem>> -> memref<12x384xf32, #tpu.memory_space<vmem>>
      %dma_wait3A_390 = arith.constant 0 : i32
      %dma_wait3A_391 = tpu.memref_slice %arg2[%dma_wait3A_385, %scan3A_353, %mul3A_2, %dma_wait3A_390] : memref<8x19x384x384xf32, #tpu.memory_space<hbm>> -> memref<1x1x12x384xf32, #tpu.memory_space<hbm>>
      %dma_wait3A_392 = tpu.memref_squeeze %dma_wait3A_391 : memref<1x1x12x384xf32, #tpu.memory_space<hbm>> -> memref<12x384xf32, #tpu.memory_space<hbm>>
      %dma_wait3A_393 = arith.constant 24 : i32
      %dma_wait3A_394 = arith.constant 0 : i32
      %dma_wait3A_395 = tpu.memref_slice %arg6[%and3A_354, %dma_wait3A_393, %dma_wait3A_394] : memref<2x96x384xf32, #tpu.memory_space<vmem>> -> memref<1x12x384xf32, #tpu.memory_space<vmem>>
      %dma_wait3A_396 = tpu.memref_squeeze %dma_wait3A_395 : memref<1x12x384xf32, #tpu.memory_space<vmem>> -> memref<12x384xf32, #tpu.memory_space<vmem>>
      %dma_wait3A_397 = arith.constant 0 : i32
      %dma_wait3A_398 = tpu.memref_slice %arg2[%dma_wait3A_385, %scan3A_353, %mul3A_2, %dma_wait3A_397] : memref<8x19x384x384xf32, #tpu.memory_space<hbm>> -> memref<1x1x12x384xf32, #tpu.memory_space<hbm>>
      %dma_wait3A_399 = tpu.memref_squeeze %dma_wait3A_398 : memref<1x1x12x384xf32, #tpu.memory_space<hbm>> -> memref<12x384xf32, #tpu.memory_space<hbm>>
      tpu.wait_dma2 semaphore(%arg8 : memref<!tpu.dma_semaphore, #tpu.memory_space<semaphore_mem>>) src(%dma_wait3A_399 : memref<12x384xf32, #tpu.memory_space<hbm>>) dst(%dma_wait3A_396 : memref<12x384xf32, #tpu.memory_space<vmem>>)
      %dma_wait3A_400 = arith.constant 3 : i32
      %dma_wait3A_401 = arith.constant 36 : i32
      %dma_wait3A_402 = arith.constant 0 : i32
      %dma_wait3A_403 = tpu.memref_slice %arg6[%and3A_354, %dma_wait3A_401, %dma_wait3A_402] : memref<2x96x384xf32, #tpu.memory_space<vmem>> -> memref<1x12x384xf32, #tpu.memory_space<vmem>>
      %dma_wait3A_404 = tpu.memref_squeeze %dma_wait3A_403 : memref<1x12x384xf32, #tpu.memory_space<vmem>> -> memref<12x384xf32, #tpu.memory_space<vmem>>
      %dma_wait3A_405 = arith.constant 0 : i32
      %dma_wait3A_406 = tpu.memref_slice %arg2[%dma_wait3A_400, %scan3A_353, %mul3A_2, %dma_wait3A_405] : memref<8x19x384x384xf32, #tpu.memory_space<hbm>> -> memref<1x1x12x384xf32, #tpu.memory_space<hbm>>
      %dma_wait3A_407 = tpu.memref_squeeze %dma_wait3A_406 : memref<1x1x12x384xf32, #tpu.memory_space<hbm>> -> memref<12x384xf32, #tpu.memory_space<hbm>>
      %dma_wait3A_408 = arith.constant 36 : i32
      %dma_wait3A_409 = arith.constant 0 : i32
      %dma_wait3A_410 = tpu.memref_slice %arg6[%and3A_354, %dma_wait3A_408, %dma_wait3A_409] : memref<2x96x384xf32, #tpu.memory_space<vmem>> -> memref<1x12x384xf32, #tpu.memory_space<vmem>>
      %dma_wait3A_411 = tpu.memref_squeeze %dma_wait3A_410 : memref<1x12x384xf32, #tpu.memory_space<vmem>> -> memref<12x384xf32, #tpu.memory_space<vmem>>
      %dma_wait3A_412 = arith.constant 0 : i32
      %dma_wait3A_413 = tpu.memref_slice %arg2[%dma_wait3A_400, %scan3A_353, %mul3A_2, %dma_wait3A_412] : memref<8x19x384x384xf32, #tpu.memory_space<hbm>> -> memref<1x1x12x384xf32, #tpu.memory_space<hbm>>
      %dma_wait3A_414 = tpu.memref_squeeze %dma_wait3A_413 : memref<1x1x12x384xf32, #tpu.memory_space<hbm>> -> memref<12x384xf32, #tpu.memory_space<hbm>>
      tpu.wait_dma2 semaphore(%arg8 : memref<!tpu.dma_semaphore, #tpu.memory_space<semaphore_mem>>) src(%dma_wait3A_414 : memref<12x384xf32, #tpu.memory_space<hbm>>) dst(%dma_wait3A_411 : memref<12x384xf32, #tpu.memory_space<vmem>>)
      %dma_wait3A_415 = arith.constant 4 : i32
      %dma_wait3A_416 = arith.constant 48 : i32
      %dma_wait3A_417 = arith.constant 0 : i32
      %dma_wait3A_418 = tpu.memref_slice %arg6[%and3A_354, %dma_wait3A_416, %dma_wait3A_417] : memref<2x96x384xf32, #tpu.memory_space<vmem>> -> memref<1x12x384xf32, #tpu.memory_space<vmem>>
      %dma_wait3A_419 = tpu.memref_squeeze %dma_wait3A_418 : memref<1x12x384xf32, #tpu.memory_space<vmem>> -> memref<12x384xf32, #tpu.memory_space<vmem>>
      %dma_wait3A_420 = arith.constant 0 : i32
      %dma_wait3A_421 = tpu.memref_slice %arg2[%dma_wait3A_415, %scan3A_353, %mul3A_2, %dma_wait3A_420] : memref<8x19x384x384xf32, #tpu.memory_space<hbm>> -> memref<1x1x12x384xf32, #tpu.memory_space<hbm>>
      %dma_wait3A_422 = tpu.memref_squeeze %dma_wait3A_421 : memref<1x1x12x384xf32, #tpu.memory_space<hbm>> -> memref<12x384xf32, #tpu.memory_space<hbm>>
      %dma_wait3A_423 = arith.constant 48 : i32
      %dma_wait3A_424 = arith.constant 0 : i32
      %dma_wait3A_425 = tpu.memref_slice %arg6[%and3A_354, %dma_wait3A_423, %dma_wait3A_424] : memref<2x96x384xf32, #tpu.memory_space<vmem>> -> memref<1x12x384xf32, #tpu.memory_space<vmem>>
      %dma_wait3A_426 = tpu.memref_squeeze %dma_wait3A_425 : memref<1x12x384xf32, #tpu.memory_space<vmem>> -> memref<12x384xf32, #tpu.memory_space<vmem>>
      %dma_wait3A_427 = arith.constant 0 : i32
      %dma_wait3A_428 = tpu.memref_slice %arg2[%dma_wait3A_415, %scan3A_353, %mul3A_2, %dma_wait3A_427] : memref<8x19x384x384xf32, #tpu.memory_space<hbm>> -> memref<1x1x12x384xf32, #tpu.memory_space<hbm>>
      %dma_wait3A_429 = tpu.memref_squeeze %dma_wait3A_428 : memref<1x1x12x384xf32, #tpu.memory_space<hbm>> -> memref<12x384xf32, #tpu.memory_space<hbm>>
      tpu.wait_dma2 semaphore(%arg8 : memref<!tpu.dma_semaphore, #tpu.memory_space<semaphore_mem>>) src(%dma_wait3A_429 : memref<12x384xf32, #tpu.memory_space<hbm>>) dst(%dma_wait3A_426 : memref<12x384xf32, #tpu.memory_space<vmem>>)
      %dma_wait3A_430 = arith.constant 5 : i32
      %dma_wait3A_431 = arith.constant 60 : i32
      %dma_wait3A_432 = arith.constant 0 : i32
      %dma_wait3A_433 = tpu.memref_slice %arg6[%and3A_354, %dma_wait3A_431, %dma_wait3A_432] : memref<2x96x384xf32, #tpu.memory_space<vmem>> -> memref<1x12x384xf32, #tpu.memory_space<vmem>>
      %dma_wait3A_434 = tpu.memref_squeeze %dma_wait3A_433 : memref<1x12x384xf32, #tpu.memory_space<vmem>> -> memref<12x384xf32, #tpu.memory_space<vmem>>
      %dma_wait3A_435 = arith.constant 0 : i32
      %dma_wait3A_436 = tpu.memref_slice %arg2[%dma_wait3A_430, %scan3A_353, %mul3A_2, %dma_wait3A_435] : memref<8x19x384x384xf32, #tpu.memory_space<hbm>> -> memref<1x1x12x384xf32, #tpu.memory_space<hbm>>
      %dma_wait3A_437 = tpu.memref_squeeze %dma_wait3A_436 : memref<1x1x12x384xf32, #tpu.memory_space<hbm>> -> memref<12x384xf32, #tpu.memory_space<hbm>>
      %dma_wait3A_438 = arith.constant 60 : i32
      %dma_wait3A_439 = arith.constant 0 : i32
      %dma_wait3A_440 = tpu.memref_slice %arg6[%and3A_354, %dma_wait3A_438, %dma_wait3A_439] : memref<2x96x384xf32, #tpu.memory_space<vmem>> -> memref<1x12x384xf32, #tpu.memory_space<vmem>>
      %dma_wait3A_441 = tpu.memref_squeeze %dma_wait3A_440 : memref<1x12x384xf32, #tpu.memory_space<vmem>> -> memref<12x384xf32, #tpu.memory_space<vmem>>
      %dma_wait3A_442 = arith.constant 0 : i32
      %dma_wait3A_443 = tpu.memref_slice %arg2[%dma_wait3A_430, %scan3A_353, %mul3A_2, %dma_wait3A_442] : memref<8x19x384x384xf32, #tpu.memory_space<hbm>> -> memref<1x1x12x384xf32, #tpu.memory_space<hbm>>
      %dma_wait3A_444 = tpu.memref_squeeze %dma_wait3A_443 : memref<1x1x12x384xf32, #tpu.memory_space<hbm>> -> memref<12x384xf32, #tpu.memory_space<hbm>>
      tpu.wait_dma2 semaphore(%arg8 : memref<!tpu.dma_semaphore, #tpu.memory_space<semaphore_mem>>) src(%dma_wait3A_444 : memref<12x384xf32, #tpu.memory_space<hbm>>) dst(%dma_wait3A_441 : memref<12x384xf32, #tpu.memory_space<vmem>>)
      %dma_wait3A_445 = arith.constant 6 : i32
      %dma_wait3A_446 = arith.constant 72 : i32
      %dma_wait3A_447 = arith.constant 0 : i32
      %dma_wait3A_448 = tpu.memref_slice %arg6[%and3A_354, %dma_wait3A_446, %dma_wait3A_447] : memref<2x96x384xf32, #tpu.memory_space<vmem>> -> memref<1x12x384xf32, #tpu.memory_space<vmem>>
      %dma_wait3A_449 = tpu.memref_squeeze %dma_wait3A_448 : memref<1x12x384xf32, #tpu.memory_space<vmem>> -> memref<12x384xf32, #tpu.memory_space<vmem>>
      %dma_wait3A_450 = arith.constant 0 : i32
      %dma_wait3A_451 = tpu.memref_slice %arg2[%dma_wait3A_445, %scan3A_353, %mul3A_2, %dma_wait3A_450] : memref<8x19x384x384xf32, #tpu.memory_space<hbm>> -> memref<1x1x12x384xf32, #tpu.memory_space<hbm>>
      %dma_wait3A_452 = tpu.memref_squeeze %dma_wait3A_451 : memref<1x1x12x384xf32, #tpu.memory_space<hbm>> -> memref<12x384xf32, #tpu.memory_space<hbm>>
      %dma_wait3A_453 = arith.constant 72 : i32
      %dma_wait3A_454 = arith.constant 0 : i32
      %dma_wait3A_455 = tpu.memref_slice %arg6[%and3A_354, %dma_wait3A_453, %dma_wait3A_454] : memref<2x96x384xf32, #tpu.memory_space<vmem>> -> memref<1x12x384xf32, #tpu.memory_space<vmem>>
      %dma_wait3A_456 = tpu.memref_squeeze %dma_wait3A_455 : memref<1x12x384xf32, #tpu.memory_space<vmem>> -> memref<12x384xf32, #tpu.memory_space<vmem>>
      %dma_wait3A_457 = arith.constant 0 : i32
      %dma_wait3A_458 = tpu.memref_slice %arg2[%dma_wait3A_445, %scan3A_353, %mul3A_2, %dma_wait3A_457] : memref<8x19x384x384xf32, #tpu.memory_space<hbm>> -> memref<1x1x12x384xf32, #tpu.memory_space<hbm>>
      %dma_wait3A_459 = tpu.memref_squeeze %dma_wait3A_458 : memref<1x1x12x384xf32, #tpu.memory_space<hbm>> -> memref<12x384xf32, #tpu.memory_space<hbm>>
      tpu.wait_dma2 semaphore(%arg8 : memref<!tpu.dma_semaphore, #tpu.memory_space<semaphore_mem>>) src(%dma_wait3A_459 : memref<12x384xf32, #tpu.memory_space<hbm>>) dst(%dma_wait3A_456 : memref<12x384xf32, #tpu.memory_space<vmem>>)
      %dma_wait3A_460 = arith.constant 7 : i32
      %dma_wait3A_461 = arith.constant 84 : i32
      %dma_wait3A_462 = arith.constant 0 : i32
      %dma_wait3A_463 = tpu.memref_slice %arg6[%and3A_354, %dma_wait3A_461, %dma_wait3A_462] : memref<2x96x384xf32, #tpu.memory_space<vmem>> -> memref<1x12x384xf32, #tpu.memory_space<vmem>>
      %dma_wait3A_464 = tpu.memref_squeeze %dma_wait3A_463 : memref<1x12x384xf32, #tpu.memory_space<vmem>> -> memref<12x384xf32, #tpu.memory_space<vmem>>
      %dma_wait3A_465 = arith.constant 0 : i32
      %dma_wait3A_466 = tpu.memref_slice %arg2[%dma_wait3A_460, %scan3A_353, %mul3A_2, %dma_wait3A_465] : memref<8x19x384x384xf32, #tpu.memory_space<hbm>> -> memref<1x1x12x384xf32, #tpu.memory_space<hbm>>
      %dma_wait3A_467 = tpu.memref_squeeze %dma_wait3A_466 : memref<1x1x12x384xf32, #tpu.memory_space<hbm>> -> memref<12x384xf32, #tpu.memory_space<hbm>>
      %dma_wait3A_468 = arith.constant 84 : i32
      %dma_wait3A_469 = arith.constant 0 : i32
      %dma_wait3A_470 = tpu.memref_slice %arg6[%and3A_354, %dma_wait3A_468, %dma_wait3A_469] : memref<2x96x384xf32, #tpu.memory_space<vmem>> -> memref<1x12x384xf32, #tpu.memory_space<vmem>>
      %dma_wait3A_471 = tpu.memref_squeeze %dma_wait3A_470 : memref<1x12x384xf32, #tpu.memory_space<vmem>> -> memref<12x384xf32, #tpu.memory_space<vmem>>
      %dma_wait3A_472 = arith.constant 0 : i32
      %dma_wait3A_473 = tpu.memref_slice %arg2[%dma_wait3A_460, %scan3A_353, %mul3A_2, %dma_wait3A_472] : memref<8x19x384x384xf32, #tpu.memory_space<hbm>> -> memref<1x1x12x384xf32, #tpu.memory_space<hbm>>
      %dma_wait3A_474 = tpu.memref_squeeze %dma_wait3A_473 : memref<1x1x12x384xf32, #tpu.memory_space<hbm>> -> memref<12x384xf32, #tpu.memory_space<hbm>>
      tpu.wait_dma2 semaphore(%arg8 : memref<!tpu.dma_semaphore, #tpu.memory_space<semaphore_mem>>) src(%dma_wait3A_474 : memref<12x384xf32, #tpu.memory_space<hbm>>) dst(%dma_wait3A_471 : memref<12x384xf32, #tpu.memory_space<vmem>>)
      %lt3A = arith.constant 18 : i32
      %lt3A_475 = arith.cmpi slt, %scan3A_353, %lt3A : i32
      %convert_element_type3A = arith.extui %lt3A_475 : i1 to i32
      %cond3A = arith.constant 0 : i32
      %cond3A_476 = arith.cmpi ne, %convert_element_type3A, %cond3A : i32
      scf.if %cond3A_476 {
        %add3A_489 = arith.constant 1 : i32
        %add3A_490 = arith.addi %scan3A_353, %add3A_489 : i32
        %sub3A = arith.constant 1 : i32
        %sub3A_491 = arith.subi %sub3A, %and3A_354 : i32
        %dma_start3A_492 = arith.constant 0 : i32
        %dma_start3A_493 = arith.constant 0 : i32
        %dma_start3A_494 = arith.constant 0 : i32
        %dma_start3A_495 = tpu.memref_slice %arg6[%sub3A_491, %dma_start3A_493, %dma_start3A_494] : memref<2x96x384xf32, #tpu.memory_space<vmem>> -> memref<1x12x384xf32, #tpu.memory_space<vmem>>
        %dma_start3A_496 = tpu.memref_squeeze %dma_start3A_495 : memref<1x12x384xf32, #tpu.memory_space<vmem>> -> memref<12x384xf32, #tpu.memory_space<vmem>>
        %dma_start3A_497 = arith.constant 0 : i32
        %dma_start3A_498 = tpu.memref_slice %arg2[%dma_start3A_492, %add3A_490, %mul3A_2, %dma_start3A_497] : memref<8x19x384x384xf32, #tpu.memory_space<hbm>> -> memref<1x1x12x384xf32, #tpu.memory_space<hbm>>
        %dma_start3A_499 = tpu.memref_squeeze %dma_start3A_498 : memref<1x1x12x384xf32, #tpu.memory_space<hbm>> -> memref<12x384xf32, #tpu.memory_space<hbm>>
        %dma_start3A_500 = arith.constant 0 : i32
        %dma_start3A_501 = arith.constant 0 : i32
        %dma_start3A_502 = tpu.memref_slice %arg6[%sub3A_491, %dma_start3A_500, %dma_start3A_501] : memref<2x96x384xf32, #tpu.memory_space<vmem>> -> memref<1x12x384xf32, #tpu.memory_space<vmem>>
        %dma_start3A_503 = tpu.memref_squeeze %dma_start3A_502 : memref<1x12x384xf32, #tpu.memory_space<vmem>> -> memref<12x384xf32, #tpu.memory_space<vmem>>
        %dma_start3A_504 = arith.constant 0 : i32
        %dma_start3A_505 = tpu.memref_slice %arg2[%dma_start3A_492, %add3A_490, %mul3A_2, %dma_start3A_504] : memref<8x19x384x384xf32, #tpu.memory_space<hbm>> -> memref<1x1x12x384xf32, #tpu.memory_space<hbm>>
        %dma_start3A_506 = tpu.memref_squeeze %dma_start3A_505 : memref<1x1x12x384xf32, #tpu.memory_space<hbm>> -> memref<12x384xf32, #tpu.memory_space<hbm>>
        tpu.enqueue_dma source(%dma_start3A_506 : memref<12x384xf32, #tpu.memory_space<hbm>>) target(%dma_start3A_503 : memref<12x384xf32, #tpu.memory_space<vmem>>) target_semaphore(%arg8 : memref<!tpu.dma_semaphore, #tpu.memory_space<semaphore_mem>>)
        %add3A_507 = arith.constant 1 : i32
        %add3A_508 = arith.addi %scan3A_353, %add3A_507 : i32
        %sub3A_509 = arith.constant 1 : i32
        %sub3A_510 = arith.subi %sub3A_509, %and3A_354 : i32
        %dma_start3A_511 = arith.constant 1 : i32
        %dma_start3A_512 = arith.constant 12 : i32
        %dma_start3A_513 = arith.constant 0 : i32
        %dma_start3A_514 = tpu.memref_slice %arg6[%sub3A_510, %dma_start3A_512, %dma_start3A_513] : memref<2x96x384xf32, #tpu.memory_space<vmem>> -> memref<1x12x384xf32, #tpu.memory_space<vmem>>
        %dma_start3A_515 = tpu.memref_squeeze %dma_start3A_514 : memref<1x12x384xf32, #tpu.memory_space<vmem>> -> memref<12x384xf32, #tpu.memory_space<vmem>>
        %dma_start3A_516 = arith.constant 0 : i32
        %dma_start3A_517 = tpu.memref_slice %arg2[%dma_start3A_511, %add3A_508, %mul3A_2, %dma_start3A_516] : memref<8x19x384x384xf32, #tpu.memory_space<hbm>> -> memref<1x1x12x384xf32, #tpu.memory_space<hbm>>
        %dma_start3A_518 = tpu.memref_squeeze %dma_start3A_517 : memref<1x1x12x384xf32, #tpu.memory_space<hbm>> -> memref<12x384xf32, #tpu.memory_space<hbm>>
        %dma_start3A_519 = arith.constant 12 : i32
        %dma_start3A_520 = arith.constant 0 : i32
        %dma_start3A_521 = tpu.memref_slice %arg6[%sub3A_510, %dma_start3A_519, %dma_start3A_520] : memref<2x96x384xf32, #tpu.memory_space<vmem>> -> memref<1x12x384xf32, #tpu.memory_space<vmem>>
        %dma_start3A_522 = tpu.memref_squeeze %dma_start3A_521 : memref<1x12x384xf32, #tpu.memory_space<vmem>> -> memref<12x384xf32, #tpu.memory_space<vmem>>
        %dma_start3A_523 = arith.constant 0 : i32
        %dma_start3A_524 = tpu.memref_slice %arg2[%dma_start3A_511, %add3A_508, %mul3A_2, %dma_start3A_523] : memref<8x19x384x384xf32, #tpu.memory_space<hbm>> -> memref<1x1x12x384xf32, #tpu.memory_space<hbm>>
        %dma_start3A_525 = tpu.memref_squeeze %dma_start3A_524 : memref<1x1x12x384xf32, #tpu.memory_space<hbm>> -> memref<12x384xf32, #tpu.memory_space<hbm>>
        tpu.enqueue_dma source(%dma_start3A_525 : memref<12x384xf32, #tpu.memory_space<hbm>>) target(%dma_start3A_522 : memref<12x384xf32, #tpu.memory_space<vmem>>) target_semaphore(%arg8 : memref<!tpu.dma_semaphore, #tpu.memory_space<semaphore_mem>>)
        %add3A_526 = arith.constant 1 : i32
        %add3A_527 = arith.addi %scan3A_353, %add3A_526 : i32
        %sub3A_528 = arith.constant 1 : i32
        %sub3A_529 = arith.subi %sub3A_528, %and3A_354 : i32
        %dma_start3A_530 = arith.constant 2 : i32
        %dma_start3A_531 = arith.constant 24 : i32
        %dma_start3A_532 = arith.constant 0 : i32
        %dma_start3A_533 = tpu.memref_slice %arg6[%sub3A_529, %dma_start3A_531, %dma_start3A_532] : memref<2x96x384xf32, #tpu.memory_space<vmem>> -> memref<1x12x384xf32, #tpu.memory_space<vmem>>
        %dma_start3A_534 = tpu.memref_squeeze %dma_start3A_533 : memref<1x12x384xf32, #tpu.memory_space<vmem>> -> memref<12x384xf32, #tpu.memory_space<vmem>>
        %dma_start3A_535 = arith.constant 0 : i32
        %dma_start3A_536 = tpu.memref_slice %arg2[%dma_start3A_530, %add3A_527, %mul3A_2, %dma_start3A_535] : memref<8x19x384x384xf32, #tpu.memory_space<hbm>> -> memref<1x1x12x384xf32, #tpu.memory_space<hbm>>
        %dma_start3A_537 = tpu.memref_squeeze %dma_start3A_536 : memref<1x1x12x384xf32, #tpu.memory_space<hbm>> -> memref<12x384xf32, #tpu.memory_space<hbm>>
        %dma_start3A_538 = arith.constant 24 : i32
        %dma_start3A_539 = arith.constant 0 : i32
        %dma_start3A_540 = tpu.memref_slice %arg6[%sub3A_529, %dma_start3A_538, %dma_start3A_539] : memref<2x96x384xf32, #tpu.memory_space<vmem>> -> memref<1x12x384xf32, #tpu.memory_space<vmem>>
        %dma_start3A_541 = tpu.memref_squeeze %dma_start3A_540 : memref<1x12x384xf32, #tpu.memory_space<vmem>> -> memref<12x384xf32, #tpu.memory_space<vmem>>
        %dma_start3A_542 = arith.constant 0 : i32
        %dma_start3A_543 = tpu.memref_slice %arg2[%dma_start3A_530, %add3A_527, %mul3A_2, %dma_start3A_542] : memref<8x19x384x384xf32, #tpu.memory_space<hbm>> -> memref<1x1x12x384xf32, #tpu.memory_space<hbm>>
        %dma_start3A_544 = tpu.memref_squeeze %dma_start3A_543 : memref<1x1x12x384xf32, #tpu.memory_space<hbm>> -> memref<12x384xf32, #tpu.memory_space<hbm>>
        tpu.enqueue_dma source(%dma_start3A_544 : memref<12x384xf32, #tpu.memory_space<hbm>>) target(%dma_start3A_541 : memref<12x384xf32, #tpu.memory_space<vmem>>) target_semaphore(%arg8 : memref<!tpu.dma_semaphore, #tpu.memory_space<semaphore_mem>>)
        %add3A_545 = arith.constant 1 : i32
        %add3A_546 = arith.addi %scan3A_353, %add3A_545 : i32
        %sub3A_547 = arith.constant 1 : i32
        %sub3A_548 = arith.subi %sub3A_547, %and3A_354 : i32
        %dma_start3A_549 = arith.constant 3 : i32
        %dma_start3A_550 = arith.constant 36 : i32
        %dma_start3A_551 = arith.constant 0 : i32
        %dma_start3A_552 = tpu.memref_slice %arg6[%sub3A_548, %dma_start3A_550, %dma_start3A_551] : memref<2x96x384xf32, #tpu.memory_space<vmem>> -> memref<1x12x384xf32, #tpu.memory_space<vmem>>
        %dma_start3A_553 = tpu.memref_squeeze %dma_start3A_552 : memref<1x12x384xf32, #tpu.memory_space<vmem>> -> memref<12x384xf32, #tpu.memory_space<vmem>>
        %dma_start3A_554 = arith.constant 0 : i32
        %dma_start3A_555 = tpu.memref_slice %arg2[%dma_start3A_549, %add3A_546, %mul3A_2, %dma_start3A_554] : memref<8x19x384x384xf32, #tpu.memory_space<hbm>> -> memref<1x1x12x384xf32, #tpu.memory_space<hbm>>
        %dma_start3A_556 = tpu.memref_squeeze %dma_start3A_555 : memref<1x1x12x384xf32, #tpu.memory_space<hbm>> -> memref<12x384xf32, #tpu.memory_space<hbm>>
        %dma_start3A_557 = arith.constant 36 : i32
        %dma_start3A_558 = arith.constant 0 : i32
        %dma_start3A_559 = tpu.memref_slice %arg6[%sub3A_548, %dma_start3A_557, %dma_start3A_558] : memref<2x96x384xf32, #tpu.memory_space<vmem>> -> memref<1x12x384xf32, #tpu.memory_space<vmem>>
        %dma_start3A_560 = tpu.memref_squeeze %dma_start3A_559 : memref<1x12x384xf32, #tpu.memory_space<vmem>> -> memref<12x384xf32, #tpu.memory_space<vmem>>
        %dma_start3A_561 = arith.constant 0 : i32
        %dma_start3A_562 = tpu.memref_slice %arg2[%dma_start3A_549, %add3A_546, %mul3A_2, %dma_start3A_561] : memref<8x19x384x384xf32, #tpu.memory_space<hbm>> -> memref<1x1x12x384xf32, #tpu.memory_space<hbm>>
        %dma_start3A_563 = tpu.memref_squeeze %dma_start3A_562 : memref<1x1x12x384xf32, #tpu.memory_space<hbm>> -> memref<12x384xf32, #tpu.memory_space<hbm>>
        tpu.enqueue_dma source(%dma_start3A_563 : memref<12x384xf32, #tpu.memory_space<hbm>>) target(%dma_start3A_560 : memref<12x384xf32, #tpu.memory_space<vmem>>) target_semaphore(%arg8 : memref<!tpu.dma_semaphore, #tpu.memory_space<semaphore_mem>>)
        %add3A_564 = arith.constant 1 : i32
        %add3A_565 = arith.addi %scan3A_353, %add3A_564 : i32
        %sub3A_566 = arith.constant 1 : i32
        %sub3A_567 = arith.subi %sub3A_566, %and3A_354 : i32
        %dma_start3A_568 = arith.constant 4 : i32
        %dma_start3A_569 = arith.constant 48 : i32
        %dma_start3A_570 = arith.constant 0 : i32
        %dma_start3A_571 = tpu.memref_slice %arg6[%sub3A_567, %dma_start3A_569, %dma_start3A_570] : memref<2x96x384xf32, #tpu.memory_space<vmem>> -> memref<1x12x384xf32, #tpu.memory_space<vmem>>
        %dma_start3A_572 = tpu.memref_squeeze %dma_start3A_571 : memref<1x12x384xf32, #tpu.memory_space<vmem>> -> memref<12x384xf32, #tpu.memory_space<vmem>>
        %dma_start3A_573 = arith.constant 0 : i32
        %dma_start3A_574 = tpu.memref_slice %arg2[%dma_start3A_568, %add3A_565, %mul3A_2, %dma_start3A_573] : memref<8x19x384x384xf32, #tpu.memory_space<hbm>> -> memref<1x1x12x384xf32, #tpu.memory_space<hbm>>
        %dma_start3A_575 = tpu.memref_squeeze %dma_start3A_574 : memref<1x1x12x384xf32, #tpu.memory_space<hbm>> -> memref<12x384xf32, #tpu.memory_space<hbm>>
        %dma_start3A_576 = arith.constant 48 : i32
        %dma_start3A_577 = arith.constant 0 : i32
        %dma_start3A_578 = tpu.memref_slice %arg6[%sub3A_567, %dma_start3A_576, %dma_start3A_577] : memref<2x96x384xf32, #tpu.memory_space<vmem>> -> memref<1x12x384xf32, #tpu.memory_space<vmem>>
        %dma_start3A_579 = tpu.memref_squeeze %dma_start3A_578 : memref<1x12x384xf32, #tpu.memory_space<vmem>> -> memref<12x384xf32, #tpu.memory_space<vmem>>
        %dma_start3A_580 = arith.constant 0 : i32
        %dma_start3A_581 = tpu.memref_slice %arg2[%dma_start3A_568, %add3A_565, %mul3A_2, %dma_start3A_580] : memref<8x19x384x384xf32, #tpu.memory_space<hbm>> -> memref<1x1x12x384xf32, #tpu.memory_space<hbm>>
        %dma_start3A_582 = tpu.memref_squeeze %dma_start3A_581 : memref<1x1x12x384xf32, #tpu.memory_space<hbm>> -> memref<12x384xf32, #tpu.memory_space<hbm>>
        tpu.enqueue_dma source(%dma_start3A_582 : memref<12x384xf32, #tpu.memory_space<hbm>>) target(%dma_start3A_579 : memref<12x384xf32, #tpu.memory_space<vmem>>) target_semaphore(%arg8 : memref<!tpu.dma_semaphore, #tpu.memory_space<semaphore_mem>>)
        %add3A_583 = arith.constant 1 : i32
        %add3A_584 = arith.addi %scan3A_353, %add3A_583 : i32
        %sub3A_585 = arith.constant 1 : i32
        %sub3A_586 = arith.subi %sub3A_585, %and3A_354 : i32
        %dma_start3A_587 = arith.constant 5 : i32
        %dma_start3A_588 = arith.constant 60 : i32
        %dma_start3A_589 = arith.constant 0 : i32
        %dma_start3A_590 = tpu.memref_slice %arg6[%sub3A_586, %dma_start3A_588, %dma_start3A_589] : memref<2x96x384xf32, #tpu.memory_space<vmem>> -> memref<1x12x384xf32, #tpu.memory_space<vmem>>
        %dma_start3A_591 = tpu.memref_squeeze %dma_start3A_590 : memref<1x12x384xf32, #tpu.memory_space<vmem>> -> memref<12x384xf32, #tpu.memory_space<vmem>>
        %dma_start3A_592 = arith.constant 0 : i32
        %dma_start3A_593 = tpu.memref_slice %arg2[%dma_start3A_587, %add3A_584, %mul3A_2, %dma_start3A_592] : memref<8x19x384x384xf32, #tpu.memory_space<hbm>> -> memref<1x1x12x384xf32, #tpu.memory_space<hbm>>
        %dma_start3A_594 = tpu.memref_squeeze %dma_start3A_593 : memref<1x1x12x384xf32, #tpu.memory_space<hbm>> -> memref<12x384xf32, #tpu.memory_space<hbm>>
        %dma_start3A_595 = arith.constant 60 : i32
        %dma_start3A_596 = arith.constant 0 : i32
        %dma_start3A_597 = tpu.memref_slice %arg6[%sub3A_586, %dma_start3A_595, %dma_start3A_596] : memref<2x96x384xf32, #tpu.memory_space<vmem>> -> memref<1x12x384xf32, #tpu.memory_space<vmem>>
        %dma_start3A_598 = tpu.memref_squeeze %dma_start3A_597 : memref<1x12x384xf32, #tpu.memory_space<vmem>> -> memref<12x384xf32, #tpu.memory_space<vmem>>
        %dma_start3A_599 = arith.constant 0 : i32
        %dma_start3A_600 = tpu.memref_slice %arg2[%dma_start3A_587, %add3A_584, %mul3A_2, %dma_start3A_599] : memref<8x19x384x384xf32, #tpu.memory_space<hbm>> -> memref<1x1x12x384xf32, #tpu.memory_space<hbm>>
        %dma_start3A_601 = tpu.memref_squeeze %dma_start3A_600 : memref<1x1x12x384xf32, #tpu.memory_space<hbm>> -> memref<12x384xf32, #tpu.memory_space<hbm>>
        tpu.enqueue_dma source(%dma_start3A_601 : memref<12x384xf32, #tpu.memory_space<hbm>>) target(%dma_start3A_598 : memref<12x384xf32, #tpu.memory_space<vmem>>) target_semaphore(%arg8 : memref<!tpu.dma_semaphore, #tpu.memory_space<semaphore_mem>>)
        %add3A_602 = arith.constant 1 : i32
        %add3A_603 = arith.addi %scan3A_353, %add3A_602 : i32
        %sub3A_604 = arith.constant 1 : i32
        %sub3A_605 = arith.subi %sub3A_604, %and3A_354 : i32
        %dma_start3A_606 = arith.constant 6 : i32
        %dma_start3A_607 = arith.constant 72 : i32
        %dma_start3A_608 = arith.constant 0 : i32
        %dma_start3A_609 = tpu.memref_slice %arg6[%sub3A_605, %dma_start3A_607, %dma_start3A_608] : memref<2x96x384xf32, #tpu.memory_space<vmem>> -> memref<1x12x384xf32, #tpu.memory_space<vmem>>
        %dma_start3A_610 = tpu.memref_squeeze %dma_start3A_609 : memref<1x12x384xf32, #tpu.memory_space<vmem>> -> memref<12x384xf32, #tpu.memory_space<vmem>>
        %dma_start3A_611 = arith.constant 0 : i32
        %dma_start3A_612 = tpu.memref_slice %arg2[%dma_start3A_606, %add3A_603, %mul3A_2, %dma_start3A_611] : memref<8x19x384x384xf32, #tpu.memory_space<hbm>> -> memref<1x1x12x384xf32, #tpu.memory_space<hbm>>
        %dma_start3A_613 = tpu.memref_squeeze %dma_start3A_612 : memref<1x1x12x384xf32, #tpu.memory_space<hbm>> -> memref<12x384xf32, #tpu.memory_space<hbm>>
        %dma_start3A_614 = arith.constant 72 : i32
        %dma_start3A_615 = arith.constant 0 : i32
        %dma_start3A_616 = tpu.memref_slice %arg6[%sub3A_605, %dma_start3A_614, %dma_start3A_615] : memref<2x96x384xf32, #tpu.memory_space<vmem>> -> memref<1x12x384xf32, #tpu.memory_space<vmem>>
        %dma_start3A_617 = tpu.memref_squeeze %dma_start3A_616 : memref<1x12x384xf32, #tpu.memory_space<vmem>> -> memref<12x384xf32, #tpu.memory_space<vmem>>
        %dma_start3A_618 = arith.constant 0 : i32
        %dma_start3A_619 = tpu.memref_slice %arg2[%dma_start3A_606, %add3A_603, %mul3A_2, %dma_start3A_618] : memref<8x19x384x384xf32, #tpu.memory_space<hbm>> -> memref<1x1x12x384xf32, #tpu.memory_space<hbm>>
        %dma_start3A_620 = tpu.memref_squeeze %dma_start3A_619 : memref<1x1x12x384xf32, #tpu.memory_space<hbm>> -> memref<12x384xf32, #tpu.memory_space<hbm>>
        tpu.enqueue_dma source(%dma_start3A_620 : memref<12x384xf32, #tpu.memory_space<hbm>>) target(%dma_start3A_617 : memref<12x384xf32, #tpu.memory_space<vmem>>) target_semaphore(%arg8 : memref<!tpu.dma_semaphore, #tpu.memory_space<semaphore_mem>>)
        %add3A_621 = arith.constant 1 : i32
        %add3A_622 = arith.addi %scan3A_353, %add3A_621 : i32
        %sub3A_623 = arith.constant 1 : i32
        %sub3A_624 = arith.subi %sub3A_623, %and3A_354 : i32
        %dma_start3A_625 = arith.constant 7 : i32
        %dma_start3A_626 = arith.constant 84 : i32
        %dma_start3A_627 = arith.constant 0 : i32
        %dma_start3A_628 = tpu.memref_slice %arg6[%sub3A_624, %dma_start3A_626, %dma_start3A_627] : memref<2x96x384xf32, #tpu.memory_space<vmem>> -> memref<1x12x384xf32, #tpu.memory_space<vmem>>
        %dma_start3A_629 = tpu.memref_squeeze %dma_start3A_628 : memref<1x12x384xf32, #tpu.memory_space<vmem>> -> memref<12x384xf32, #tpu.memory_space<vmem>>
        %dma_start3A_630 = arith.constant 0 : i32
        %dma_start3A_631 = tpu.memref_slice %arg2[%dma_start3A_625, %add3A_622, %mul3A_2, %dma_start3A_630] : memref<8x19x384x384xf32, #tpu.memory_space<hbm>> -> memref<1x1x12x384xf32, #tpu.memory_space<hbm>>
        %dma_start3A_632 = tpu.memref_squeeze %dma_start3A_631 : memref<1x1x12x384xf32, #tpu.memory_space<hbm>> -> memref<12x384xf32, #tpu.memory_space<hbm>>
        %dma_start3A_633 = arith.constant 84 : i32
        %dma_start3A_634 = arith.constant 0 : i32
        %dma_start3A_635 = tpu.memref_slice %arg6[%sub3A_624, %dma_start3A_633, %dma_start3A_634] : memref<2x96x384xf32, #tpu.memory_space<vmem>> -> memref<1x12x384xf32, #tpu.memory_space<vmem>>
        %dma_start3A_636 = tpu.memref_squeeze %dma_start3A_635 : memref<1x12x384xf32, #tpu.memory_space<vmem>> -> memref<12x384xf32, #tpu.memory_space<vmem>>
        %dma_start3A_637 = arith.constant 0 : i32
        %dma_start3A_638 = tpu.memref_slice %arg2[%dma_start3A_625, %add3A_622, %mul3A_2, %dma_start3A_637] : memref<8x19x384x384xf32, #tpu.memory_space<hbm>> -> memref<1x1x12x384xf32, #tpu.memory_space<hbm>>
        %dma_start3A_639 = tpu.memref_squeeze %dma_start3A_638 : memref<1x1x12x384xf32, #tpu.memory_space<hbm>> -> memref<12x384xf32, #tpu.memory_space<hbm>>
        tpu.enqueue_dma source(%dma_start3A_639 : memref<12x384xf32, #tpu.memory_space<hbm>>) target(%dma_start3A_636 : memref<12x384xf32, #tpu.memory_space<vmem>>) target_semaphore(%arg8 : memref<!tpu.dma_semaphore, #tpu.memory_space<semaphore_mem>>)
      } else {
      }
      %scan3A_477 = arith.constant 0 : i32
      %scan3A_478 = arith.constant 0 : i32
      %scan3A_479 = arith.constant 272 : i32
      %scan3A_480 = arith.addi %scan3A_478, %scan3A_479 : i32
      %scan3A_481 = arith.constant 1 : i32
      scf.for %scan3A_489 = %scan3A_478 to %scan3A_480 step %scan3A_481  : i32 {
        %mul3A_490 = arith.constant 16 : i32
        %mul3A_491 = arith.muli %scan3A_489, %mul3A_490 : i32
        %swap3A = arith.index_cast %mul3A_491 : i32 to index
        %swap3A_492 = tpu.vector_load %arg5[%swap3A] {strides = array<i32>} : memref<4352xf32, #tpu.memory_space<vmem>>, vector<16xf32>,
        tpu.vector_store %arg5[%swap3A], %broadcast_in_dim3A_347 {strides = array<i32>} : memref<4352xf32, #tpu.memory_space<vmem>>, vector<16xf32>,
      }
      %scan3A_482 = arith.constant 272 : i32
      %scan3A_483 = arith.constant 0 : i32
      %scan3A_484 = arith.constant 0 : i32
      %scan3A_485 = arith.constant 96 : i32
      %scan3A_486 = arith.addi %scan3A_484, %scan3A_485 : i32
      %scan3A_487 = arith.constant 1 : i32
      scf.for %scan3A_489 = %scan3A_484 to %scan3A_486 step %scan3A_487  : i32 {
        %parallel_loop3A = arith.constant 0 : i32
        %parallel_loop3A_490 = arith.constant 24 : i32
        %parallel_loop3A_491 = arith.constant 1 : i32
        scf.for %parallel_loop3A_492 = %parallel_loop3A to %parallel_loop3A_490 step %parallel_loop3A_491  : i32 {
          %parallel_loop3A_493 = arith.constant 16 : i32
          %parallel_loop3A_494 = arith.muli %parallel_loop3A_492, %parallel_loop3A_493 : i32
          %parallel_loop3A_495 = arith.index_cast %and3A_354 : i32 to index
          %parallel_loop3A_496 = arith.index_cast %scan3A_489 : i32 to index
          %parallel_loop3A_497 = arith.index_cast %parallel_loop3A_494 : i32 to index
          %parallel_loop3A_498 = tpu.vector_load %arg6[%parallel_loop3A_495, %parallel_loop3A_496, %parallel_loop3A_497] {strides = array<i32>} : memref<2x96x384xf32, #tpu.memory_space<vmem>>, vector<16xf32>,
          %parallel_loop3A_499 = arith.index_cast %scan3A_489 : i32 to index
          %parallel_loop3A_500 = arith.index_cast %parallel_loop3A_494 : i32 to index
          %parallel_loop3A_501 = tpu.vector_load %arg7[%parallel_loop3A_499, %parallel_loop3A_500] {strides = array<i32>} : memref<96x384xi32, #tpu.memory_space<vmem>>, vector<16xi32>,
          %parallel_loop3A_502 = vector.broadcast %scan3A_353 : i32 to vector<16xi32>
          %parallel_loop3A_503 = arith.cmpi eq, %parallel_loop3A_501, %parallel_loop3A_502 : vector<16xi32>
          %parallel_loop3A_504 = arith.constant 1.000000e+00 : f32
          %parallel_loop3A_505 = vector.broadcast %parallel_loop3A_504 : f32 to vector<16xf32>
          %parallel_loop3A_506 = arith.subf %parallel_loop3A_505, %parallel_loop3A_498 : vector<16xf32>
          %parallel_loop3A_507 = arith.constant 1.000000e+00 : f32
          %parallel_loop3A_508 = vector.broadcast %parallel_loop3A_507 : f32 to vector<16xf32>
          %parallel_loop3A_509 = arith.addf %parallel_loop3A_508, %parallel_loop3A_498 : vector<16xf32>
          %parallel_loop3A_510 = arith.select %parallel_loop3A_503, %parallel_loop3A_506, %parallel_loop3A_509 : vector<16xi1>, vector<16xf32>
          %parallel_loop3A_511 = arith.constant 0.000000e+00 : f32
          %parallel_loop3A_512 = vector.broadcast %parallel_loop3A_511 : f32 to vector<16xf32>
          %parallel_loop3A_513 = arith.cmpf ogt, %parallel_loop3A_510, %parallel_loop3A_512 : vector<16xf32>
          %parallel_loop3A_514 = vector.bitcast %parallel_loop3A_510 : vector<16xf32> to vector<16xi32>
          %parallel_loop3A_515 = arith.constant 931135488 : i32
          %parallel_loop3A_516 = vector.broadcast %parallel_loop3A_515 : i32 to vector<16xi32>
          %parallel_loop3A_517 = arith.subi %parallel_loop3A_514, %parallel_loop3A_516 : vector<16xi32>
          %parallel_loop3A_518 = arith.constant 17 : i32
          %parallel_loop3A_519 = vector.broadcast %parallel_loop3A_518 : i32 to vector<16xi32>
          %parallel_loop3A_520 = arith.shrsi %parallel_loop3A_517, %parallel_loop3A_519 : vector<16xi32>
          %parallel_loop3A_521 = arith.constant 1 : i32
          %parallel_loop3A_522 = vector.broadcast %parallel_loop3A_521 : i32 to vector<16xi32>
          %parallel_loop3A_523 = arith.addi %parallel_loop3A_520, %parallel_loop3A_522 : vector<16xi32>
          %parallel_loop3A_524 = arith.constant 0 : i32
          %parallel_loop3A_525 = arith.constant 2048 : i32
          %parallel_loop3A_526 = vector.broadcast %parallel_loop3A_524 : i32 to vector<16xi32>
          %parallel_loop3A_527 = arith.maxsi %parallel_loop3A_526, %parallel_loop3A_523 : vector<16xi32>
          %parallel_loop3A_528 = vector.broadcast %parallel_loop3A_525 : i32 to vector<16xi32>
          %parallel_loop3A_529 = arith.minsi %parallel_loop3A_528, %parallel_loop3A_527 : vector<16xi32>
          %parallel_loop3A_530 = arith.constant 0 : i32
          %parallel_loop3A_531 = arith.constant 2176 : i32
          %parallel_loop3A_532 = vector.broadcast %parallel_loop3A_530 : i32 to vector<16xi32>
          %parallel_loop3A_533 = vector.broadcast %parallel_loop3A_531 : i32 to vector<16xi32>
          %parallel_loop3A_534 = arith.select %parallel_loop3A_503, %parallel_loop3A_532, %parallel_loop3A_533 : vector<16xi1>, vector<16xi32>
          %parallel_loop3A_535 = arith.addi %parallel_loop3A_529, %parallel_loop3A_534 : vector<16xi32>
          %parallel_loop3A_536 = arith.constant 2049 : i32
          %parallel_loop3A_537 = vector.broadcast %parallel_loop3A_536 : i32 to vector<16xi32>
          %parallel_loop3A_538 = arith.select %parallel_loop3A_513, %parallel_loop3A_535, %parallel_loop3A_537 : vector<16xi1>, vector<16xi32>
          %parallel_loop3A_539 = arith.ori %parallel_loop3A_513, %parallel_loop3A_503 : vector<16xi1>
          tpu.vector_store_idx %arg5[%parallel_loop3A_538], %broadcast_in_dim3A_345 masked %parallel_loop3A_539 {add = true} : memref<4352xf32, #tpu.memory_space<vmem>>[vector<16xi32>], vector<16xf32>, vector<16xi1>
        } {sc.loop_unroll_factor = 8 : i64, sc.parallel_access}
      }
      %scan3A_488 = arith.constant 96 : i32
      "tpu.region"() ({
        %run_scoped3A = tpu.sem_alloc : memref<!tpu.dma_semaphore, #tpu.memory_space<semaphore_mem>>
        %dma_start3A_489 = arith.constant 0 : i32
        %dma_start3A_490 = tpu.memref_slice %arg4[%add3A, %scan3A_353, %dma_start3A_489] : memref<32x19x4352xf32, #tpu.memory_space<hbm>> -> memref<1x1x4352xf32, #tpu.memory_space<hbm>>
        %dma_start3A_491 = tpu.memref_squeeze %dma_start3A_490 : memref<1x1x4352xf32, #tpu.memory_space<hbm>> -> memref<4352xf32, #tpu.memory_space<hbm>>
        %dma_start3A_492 = arith.constant 0 : i32
        %dma_start3A_493 = tpu.memref_slice %arg4[%add3A, %scan3A_353, %dma_start3A_492] : memref<32x19x4352xf32, #tpu.memory_space<hbm>> -> memref<1x1x4352xf32, #tpu.memory_space<hbm>>
        %dma_start3A_494 = tpu.memref_squeeze %dma_start3A_493 : memref<1x1x4352xf32, #tpu.memory_space<hbm>> -> memref<4352xf32, #tpu.memory_space<hbm>>
        tpu.enqueue_dma source(%arg5 : memref<4352xf32, #tpu.memory_space<vmem>>) target(%dma_start3A_494 : memref<4352xf32, #tpu.memory_space<hbm>>) target_semaphore(%run_scoped3A : memref<!tpu.dma_semaphore, #tpu.memory_space<semaphore_mem>>)
        %dma_wait3A_495 = arith.constant 0 : i32
        %dma_wait3A_496 = tpu.memref_slice %arg4[%add3A, %scan3A_353, %dma_wait3A_495] : memref<32x19x4352xf32, #tpu.memory_space<hbm>> -> memref<1x1x4352xf32, #tpu.memory_space<hbm>>
        %dma_wait3A_497 = tpu.memref_squeeze %dma_wait3A_496 : memref<1x1x4352xf32, #tpu.memory_space<hbm>> -> memref<4352xf32, #tpu.memory_space<hbm>>
        %dma_wait3A_498 = arith.constant 0 : i32
        %dma_wait3A_499 = tpu.memref_slice %arg4[%add3A, %scan3A_353, %dma_wait3A_498] : memref<32x19x4352xf32, #tpu.memory_space<hbm>> -> memref<1x1x4352xf32, #tpu.memory_space<hbm>>
        %dma_wait3A_500 = tpu.memref_squeeze %dma_wait3A_499 : memref<1x1x4352xf32, #tpu.memory_space<hbm>> -> memref<4352xf32, #tpu.memory_space<hbm>>
        tpu.wait_dma2 semaphore(%run_scoped3A : memref<!tpu.dma_semaphore, #tpu.memory_space<semaphore_mem>>) src(%arg5 : memref<4352xf32, #tpu.memory_space<vmem>>) dst(%dma_wait3A_500 : memref<4352xf32, #tpu.memory_space<hbm>>)
        tpu.yield
      }) : () -> ()
    }
    %scan3A_352 = arith.constant 19 : i32
    return
  }
}

module attributes {stable_mosaic.version = 14 : i64} {
  func.func @_tc_integrate_body(%arg0: memref<32x19x4352xf32, #tpu.memory_space<vmem>>, %arg1: memref<1x1xf32, #tpu.memory_space<smem>>) attributes {dimension_semantics = [], scalar_prefetch = 0 : i64, scratch_operands = 0 : i64, tpu.core_type = #tpu.core_type<tc>} {
    %get3A = arith.constant 0 : index
    %get3A_0 = arith.constant 0 : index
    %get3A_1 = arith.constant 0 : index
    %get3A_2 = vector.load %arg0[%get3A, %get3A_0, %get3A_1] : memref<32x19x4352xf32, #tpu.memory_space<vmem>>, vector<32x19x4352xf32>
    %reduce_sum3A = arith.constant dense<0.000000e+00> : vector<19x4352xf32>
    %reduce_sum3A_3 = vector.multi_reduction <add>, %get3A_2, %reduce_sum3A [0] : vector<32x19x4352xf32> to vector<19x4352xf32>
    %slice3A = vector.extract_strided_slice %reduce_sum3A_3 {offsets = [0, 0], sizes = [19, 2176], strides = [1, 1]} : vector<19x4352xf32> to vector<19x2176xf32>
    %slice3A_4 = vector.extract_strided_slice %reduce_sum3A_3 {offsets = [0, 2176], sizes = [19, 2176], strides = [1, 1]} : vector<19x4352xf32> to vector<19x2176xf32>
    %reduce_sum3A_5 = arith.constant dense<0.000000e+00> : vector<19xf32>
    %reduce_sum3A_6 = vector.multi_reduction <add>, %slice3A, %reduce_sum3A_5 [1] : vector<19x2176xf32> to vector<19xf32>
    %broadcast_in_dim3A = vector.shape_cast %reduce_sum3A_6 : vector<19xf32> to vector<19x1xf32>
    %iota3A = tpu.iota {dimensions = array<i32: 1>} : vector<1x2176xi32>
    %lt3A = arith.constant 2049 : i32
    %lt3A_7 = vector.broadcast %lt3A : i32 to vector<1x2176xi32>
    %lt3A_8 = arith.cmpi slt, %iota3A, %lt3A_7 : vector<1x2176xi32>
    %add3A = arith.addf %slice3A, %slice3A_4 : vector<19x2176xf32>
    %jit3A = arith.constant 0.000000e+00 : f32
    %broadcast_in_dim3A_9 = vector.shape_cast %lt3A_8 : vector<1x2176xi1> to vector<1x2176xi1>
    %broadcast_in_dim3A_10 = vector.broadcast %broadcast_in_dim3A_9 : vector<1x2176xi1> to vector<19x2176xi1>
    %broadcast_in_dim3A_11 = vector.broadcast %jit3A : f32 to vector<19x2176xf32>
    %select_n3A = arith.select %broadcast_in_dim3A_10, %add3A, %broadcast_in_dim3A_11 : vector<19x2176xi1>, vector<19x2176xf32>
    %jit3A_12 = arith.constant 0.000000e+00 : f32
    %broadcast_in_dim3A_13 = vector.shape_cast %lt3A_8 : vector<1x2176xi1> to vector<1x2176xi1>
    %broadcast_in_dim3A_14 = vector.broadcast %broadcast_in_dim3A_13 : vector<1x2176xi1> to vector<19x2176xi1>
    %broadcast_in_dim3A_15 = vector.broadcast %jit3A_12 : f32 to vector<19x2176xf32>
    %select_n3A_16 = arith.select %broadcast_in_dim3A_14, %slice3A, %broadcast_in_dim3A_15 : vector<19x2176xi1>, vector<19x2176xf32>
    %iota3A_17 = tpu.iota {dimensions = array<i32: 0>} : vector<2176x2176xi32>
    %iota3A_18 = tpu.iota {dimensions = array<i32: 1>} : vector<2176x2176xi32>
    %gt3A = arith.cmpi sgt, %iota3A_17, %iota3A_18 : vector<2176x2176xi32>
    %convert_element_type3A = arith.extui %gt3A : vector<2176x2176xi1> to vector<2176x2176xi32>
    %convert_element_type3A_19 = arith.sitofp %convert_element_type3A : vector<2176x2176xi32> to vector<2176x2176xf32>
    %concatenate3A = tpu.concatenate %select_n3A, %select_n3A_16 in 0 : vector<19x2176xf32>, vector<19x2176xf32> -> vector<38x2176xf32>
    %dot_general3A = arith.constant dense<0.000000e+00> : vector<38x2176xf32>
    %dot_general3A_20 = tpu.matmul %concatenate3A, %convert_element_type3A_19, %dot_general3A {dimension_numbers = #tpu.dot_dimension_numbers<[1], [0], [0], [1], [0, 0, 1, 1], [], []>, precision = #tpu.contract_precision<fp32>, transpose_lhs_hint = false} : vector<38x2176xf32>, vector<2176x2176xf32>, vector<38x2176xf32> -> vector<38x2176xf32>
    %slice3A_21 = vector.extract_strided_slice %dot_general3A_20 {offsets = [0, 0], sizes = [19, 2176], strides = [1, 1]} : vector<38x2176xf32> to vector<19x2176xf32>
    %slice3A_22 = vector.extract_strided_slice %dot_general3A_20 {offsets = [19, 0], sizes = [19, 2176], strides = [1, 1]} : vector<38x2176xf32> to vector<19x2176xf32>
    %iota3A_23 = tpu.iota {dimensions = array<i32: 1>} : vector<1x2176xi32>
    %eq3A = arith.constant 0 : i32
    %eq3A_24 = vector.broadcast %eq3A : i32 to vector<1x2176xi32>
    %eq3A_25 = arith.cmpi eq, %iota3A_23, %eq3A_24 : vector<1x2176xi32>
    %sub3A = arith.constant 1 : i32
    %sub3A_26 = vector.broadcast %sub3A : i32 to vector<1x2176xi32>
    %sub3A_27 = arith.subi %iota3A_23, %sub3A_26 : vector<1x2176xi32>
    %mul3A = arith.constant 131072 : i32
    %mul3A_28 = vector.broadcast %mul3A : i32 to vector<1x2176xi32>
    %mul3A_29 = arith.muli %sub3A_27, %mul3A_28 : vector<1x2176xi32>
    %add3A_30 = arith.constant 931135488 : i32
    %add3A_31 = vector.broadcast %add3A_30 : i32 to vector<1x2176xi32>
    %add3A_32 = arith.addi %add3A_31, %mul3A_29 : vector<1x2176xi32>
    %bitcast_convert_type3A = tpu.bitcast %add3A_32 : vector<1x2176xi32> -> vector<1x2176xf32>
    %jit3A_33 = arith.constant 0.000000e+00 : f32
    %broadcast_in_dim3A_34 = vector.broadcast %jit3A_33 : f32 to vector<1x2176xf32>
    %select_n3A_35 = arith.select %eq3A_25, %broadcast_in_dim3A_34, %bitcast_convert_type3A : vector<1x2176xi1>, vector<1x2176xf32>
    %mul3A_36 = arith.constant 131072 : i32
    %mul3A_37 = vector.broadcast %mul3A_36 : i32 to vector<1x2176xi32>
    %mul3A_38 = arith.muli %iota3A_23, %mul3A_37 : vector<1x2176xi32>
    %add3A_39 = arith.constant 931135488 : i32
    %add3A_40 = vector.broadcast %add3A_39 : i32 to vector<1x2176xi32>
    %add3A_41 = arith.addi %add3A_40, %mul3A_38 : vector<1x2176xi32>
    %bitcast_convert_type3A_42 = tpu.bitcast %add3A_41 : vector<1x2176xi32> -> vector<1x2176xf32>
    %sub3A_43 = arith.subf %bitcast_convert_type3A_42, %select_n3A_35 : vector<1x2176xf32>
    %mul3A_44 = arith.constant 5.000000e-01 : f32
    %mul3A_45 = vector.broadcast %mul3A_44 : f32 to vector<1x2176xf32>
    %mul3A_46 = arith.mulf %sub3A_43, %mul3A_45 : vector<1x2176xf32>
    %add3A_47 = vector.broadcast %broadcast_in_dim3A : vector<19x1xf32> to vector<19x2176xf32>
    %add3A_48 = arith.addf %slice3A_21, %add3A_47 : vector<19x2176xf32>
    %sub3A_49 = arith.subf %add3A_48, %slice3A_22 : vector<19x2176xf32>
    %max3A = arith.constant 1.000000e+00 : f32
    %max3A_50 = vector.broadcast %max3A : f32 to vector<19x2176xf32>
    %max3A_51 = arith.maximumf %sub3A_49, %max3A_50 : vector<19x2176xf32>
    %div3A = arith.divf %slice3A_21, %max3A_51 : vector<19x2176xf32>
    %add3A_52 = arith.addf %slice3A_21, %select_n3A : vector<19x2176xf32>
    %add3A_53 = arith.addf %slice3A_22, %select_n3A_16 : vector<19x2176xf32>
    %add3A_54 = vector.broadcast %broadcast_in_dim3A : vector<19x1xf32> to vector<19x2176xf32>
    %add3A_55 = arith.addf %add3A_52, %add3A_54 : vector<19x2176xf32>
    %sub3A_56 = arith.subf %add3A_55, %add3A_53 : vector<19x2176xf32>
    %max3A_57 = arith.constant 1.000000e+00 : f32
    %max3A_58 = vector.broadcast %max3A_57 : f32 to vector<19x2176xf32>
    %max3A_59 = arith.maximumf %sub3A_56, %max3A_58 : vector<19x2176xf32>
    %div3A_60 = arith.divf %add3A_52, %max3A_59 : vector<19x2176xf32>
    %add3A_61 = arith.addf %div3A, %div3A_60 : vector<19x2176xf32>
    %mul3A_62 = vector.broadcast %mul3A_46 : vector<1x2176xf32> to vector<19x2176xf32>
    %mul3A_63 = arith.mulf %mul3A_62, %add3A_61 : vector<19x2176xf32>
    %reduce_sum3A_64 = vector.shape_cast %mul3A_63 : vector<19x2176xf32> to vector<1x19x2176xf32>
    %reduce_sum3A_65 = arith.constant dense<0.000000e+00> : vector<1xf32>
    %reduce_sum3A_66 = vector.multi_reduction <add>, %reduce_sum3A_64, %reduce_sum3A_65 [1, 2] : vector<1x19x2176xf32> to vector<1xf32>
    %reduce_sum3A_67 = vector.shape_cast %reduce_sum3A_66 : vector<1xf32> to vector<1x1x1xf32>
    %reduce_sum3A_68 = vector.extract %reduce_sum3A_67[0, 0, 0] : f32 from vector<1x1x1xf32>
    %div3A_69 = arith.constant 1.900000e+01 : f32
    %div3A_70 = arith.divf %reduce_sum3A_68, %div3A_69 : f32
    %swap3A = arith.constant 0 : index
    %swap3A_71 = arith.constant 0 : index
    %swap3A_72 = memref.load %arg1[%swap3A, %swap3A_71] : memref<1x1xf32, #tpu.memory_space<smem>>
    memref.store %div3A_70, %arg1[%swap3A, %swap3A_71] : memref<1x1xf32, #tpu.memory_space<smem>>
    return
  }
}

</mosaic_0001>

<sc_bundles>
// kernel: kernel.4.cloned.1.call-start
scs
__scs_entry_jumppad:
0x0: {  	(pc) =	sbr.rel $0x88, $3  }
0x1: {  	(tag) =	ssettag $0x0;
	lr =	simm.s32 $0x1  }
0x2: {  	[smem:$0x3F9F] =	sst lr;
	_ =	strace $0xD0000000  }
0x3: {  	_ = 	snop  }
0x4: {  	_ = 	snop  }
0x5: {  	_ = 	snop  }
0x6: {  	_ = 	snop  }
0x7: {  	_ = 	snop  }
__scs_overlays_trampoline_lowered:
0x8: {  	[smem:$0x3FAE] =	sst s0  }
0x9: {  	[smem:$0x3FAF] =	sst s1  }
0xa: {  	[smem:$0x3FB0] =	sst s2  }
0xb: {  	[smem:$0x3FB1] =	sst s3  }
0xc: {  	[smem:$0x3FB2] =	sst s4  }
0xd: {  	[smem:$0x3FB3] =	sst s5  }
0xe: {  	[smem:$0x3FB4] =	sst s6  }
0xf: {  	[smem:$0x3FB5] =	sst s7  }
0x10: {  	[smem:$0x3FB6] =	sst s8  }
0x11: {  	[smem:$0x3FB7] =	sst s9;
	s0 =	simm.s32 @!p0 $0x0  }
0x12: {  	s1 =	sld [smem:$0x3F9D];
	s0 =	simm.s32 @p0 $0x1  }
0x13: {  	[smem:$0x3FB8] =	sst s0;
	s0 =	simm.s32 @!p1 $0x0  }
0x14: {  	s2 =	sld [smem:$0x3F9C];
	s0 =	simm.s32 @p1 $0x1  }
0x15: {  	[smem:$0x3FB9] =	sst s0;
	s0 =	simm.s32 @!p2 $0x0  }
0x16: {  	s3 =	sld [smem:$0x3FDB];
	s0 =	simm.s32 @p2 $0x1  }
0x17: {  	s4 =	simm.s32 $0x1BF5;
	[smem:$0x3FBB] =	sst s0  }
0x18: {  	s0 =	sld [smem:$0x3F9E];
	_ =	swait.ge [sflag:s4], $0x0  }
0x19: {  	s7 =	sld [smem:$0x3F9F]  }
0x1a: {  	s8 =	sadd.s32 $0xFFFFE003, lr  }
0x1b: {  	s9 =	sadd.s32 $0xFFFFFEF7, lr;
	s5 =	simm.s32 $0xFFFFFFFF;
	p2 =	slt.u32 s8, $0xFFFFF086  }
0x1c: {  	p1 =	slt.u32 s9, $0xF7A;
	s5 =	simm.s32 @!p2 $0x0  }
0x1d: {  	s5 =	simm.s32 @p1 $0x1;
	p0 =	seq.s32 s7, s2  }
0x1e: {  	s7 =	smul.u32 @!p0 $0xF7A, s2;
	p2 =	seq.s32 @!p0 s5, $0x0  }
0x1f: {  	s9 =	smul.u32 $0xF7A, s1;
	s8 =	simm.s32 @!p0 $0x1BF5;
	p2 =	por !p2, p0  }
0x20: {  	[sflag:s8] =	ssyncset.s32 @!p0 $0xFFFFF086;
	s6 =	sadd.s32 @!p0 s3, s7;
	s7 =	simm.s32 @!p0 $0x108  }
0x21: {  	s3 =	sadd.s32 s3, s9;
	s6 =	sadd.s32 @!p0 $0x88, s6;
	s7 =	simm.s32 @p2 $0x1082  }
0x22: {  	[simem:s7], [sflag:s8] =	dma.local @!p0 [hbm:s6], $0xF7A  }
0x23: {  	s9 =	sor.u32 $0xD0000000, s2;
	s6 =	simm.s32 $0x108;
	_ =	swait.ge @!p0 [sflag:s8], $0x0  }
0x24: {  	s3 =	sadd.s32 $0x88, s3;
	s6 =	simm.s32 @!p1 $0x1082;
	[sflag:s4] =	ssyncset.s32 $0xFFFFF086  }
0x25: {  	[simem:s6], [sflag:s4] =	dma.local [hbm:s3], $0xF7A  }
0x26: {  	[smem:$0x3F9F] =	sst s1;
	(tag) =	ssettag s2;
	_ =	strace s9  }
0x27: {  	s1 =	sld [smem:$0x3FAF]  }
0x28: {  	s2 =	sld [smem:$0x3FB0]  }
0x29: {  	s4 =	sld [smem:$0x3FB2]  }
0x2a: {  	p0 =	seq.s32 s5, $0x0;
	s5 =	sld [smem:$0x3FB3]  }
0x2b: {  	s6 =	sld [smem:$0x3FB4]  }
0x2c: {  	s7 =	sld [smem:$0x3FB5]  }
0x2d: {  	s3 =	simm.s32 $0x108;
	s8 =	sld [smem:$0x3FB6]  }
0x2e: {  	s3 =	simm.s32 @!p0 $0x1082;
	s9 =	sld [smem:$0x3FB7]  }
0x2f: {  	lr =	sadd.s32 s0, s3;
	s0 =	sld [smem:$0x3FAE]  }
0x30: {  	s3 =	sld [smem:$0x3FB1]  }
0x31: {  	[smem:$0x3FBA] =	sst s10  }
0x32: {  	s10 =	sld [smem:$0x3FB8];
	_ =	sdelay $0x3  }
0x33: {  	p0 =	seq.s32 s10, $0x1;
	s10 =	sld [smem:$0x3FBA];
	_ =	sdelay $0x3  }
0x34: {  	[smem:$0x3FBA] =	sst s10  }
0x35: {  	s10 =	sld [smem:$0x3FB9];
	_ =	sdelay $0x3  }
0x36: {  	p1 =	seq.s32 s10, $0x1;
	s10 =	sld [smem:$0x3FBA];
	_ =	sdelay $0x3  }
0x37: {  	[smem:$0x3FBA] =	sst s10  }
0x38: {  	s10 =	sld [smem:$0x3FBB]  }
0x39: {  	_ = 	snop;
	(pc) =	sbr.ind lr, $3  }
0x3a: {  	_ = 	snop  }
0x3b: {  	_ = 	snop  }
0x3c: {  	p2 =	seq.s32 s10, $0x1;
	s10 =	sld [smem:$0x3FBA]  }
0x3d: {  	_ =	shalt  }
0x3e: {  	_ =	shalt  }
0x3f: {  	_ =	shalt  }
0x40: {  	_ =	shalt  }
0x41: {  	_ =	shalt  }
0x42: {  	_ =	shalt  }
0x43: {  	_ =	shalt  }
0x44: {  	_ =	shalt  }
0x45: {  	_ =	shalt  }
0x46: {  	_ =	shalt  }
0x47: {  	_ =	shalt  }
0x48: {  	_ =	shalt  }
0x49: {  	_ =	shalt  }
0x4a: {  	_ =	shalt  }
0x4b: {  	_ =	shalt  }
0x4c: {  	_ =	shalt  }
0x4d: {  	_ =	shalt  }
0x4e: {  	_ =	shalt  }
0x4f: {  	_ =	shalt  }
0x50: {  	_ =	shalt  }
0x51: {  	_ =	shalt  }
0x52: {  	_ =	shalt  }
0x53: {  	_ =	shalt  }
0x54: {  	_ =	shalt  }
0x55: {  	_ =	shalt  }
0x56: {  	_ =	shalt  }
0x57: {  	_ =	shalt  }
0x58: {  	_ =	shalt  }
0x59: {  	_ =	shalt  }
0x5a: {  	_ =	shalt  }
0x5b: {  	_ =	shalt  }
0x5c: {  	_ =	shalt  }
0x5d: {  	_ =	shalt  }
0x5e: {  	_ =	shalt  }
0x5f: {  	_ =	shalt  }
0x60: {  	_ =	shalt  }
0x61: {  	_ =	shalt  }
0x62: {  	_ =	shalt  }
0x63: {  	_ =	shalt  }
0x64: {  	_ =	shalt  }
0x65: {  	_ =	shalt  }
0x66: {  	_ =	shalt  }
0x67: {  	_ =	shalt  }
0x68: {  	_ =	shalt  }
0x69: {  	_ =	shalt  }
0x6a: {  	_ =	shalt  }
0x6b: {  	_ =	shalt  }
0x6c: {  	_ =	shalt  }
0x6d: {  	_ =	shalt  }
0x6e: {  	_ =	shalt  }
0x6f: {  	_ =	shalt  }
0x70: {  	_ =	shalt  }
0x71: {  	_ =	shalt  }
0x72: {  	_ =	shalt  }
0x73: {  	_ =	shalt  }
0x74: {  	_ =	shalt  }
0x75: {  	_ =	shalt  }
0x76: {  	_ =	shalt  }
0x77: {  	_ =	shalt  }
0x78: {  	_ =	shalt  }
0x79: {  	_ =	shalt  }
0x7a: {  	_ =	shalt  }
0x7b: {  	_ =	shalt  }
0x7c: {  	_ =	shalt  }
0x7d: {  	_ =	shalt  }
0x7e: {  	_ =	shalt  }
0x7f: {  	_ =	shalt  }
0x80: {  	_ =	shalt  }
0x81: {  	_ =	shalt  }
0x82: {  	_ =	shalt  }
0x83: {  	_ =	shalt  }
0x84: {  	_ =	shalt  }
0x85: {  	_ =	shalt  }
0x86: {  	_ =	shalt  }
0x87: {  	_ =	shalt  }
.Lfunc_end0:
.L_simem_size_0:
called_computation_lowered:
.L_overlay_start_0:
0x88: {  	s2 =	sld [smem:$0x3FD9]  }
0x89: {  	s3 =	sld [smem:$0x3FFE];
	_ =	sdelay $0x1  }
0x8a: {  	s1 =	srdreg.scid  }
0x8b: {  	s0 =	sand.u32 $0x1, s1  }
0x8c: {  	s16 =	sshll.u32 s0, $0xA;
	s2 =	sadd.s32 s3, s2  }
0x8d: {  	s2 =	sadd.s32 s2, s16  }
0x8e: {  	[smem:$0x3FC6] =	sst s2  }
0x8f: {  	_ = 	snop  }
0x90: {  	(tm) =	ssettm $0x1  }
0x91: {  	s17 =	sld [smem:$0x3FFB];
	_ =	sdelay $0x3  }
0x92: {  	_ =	strace s17  }
0x93: {  	s2 =	sld [smem:$0x3FFC];
	_ =	sdelay $0x3  }
0x94: {  	_ =	strace s2  }
0x95: {  	s2 =	sld [smem:$0x3FFD];
	_ =	sdelay $0x3  }
0x96: {  	_ =	strace s2  }
0x97: {  	_ =	strace $0x8FFFFFFF  }
0x98: {  	s18 =	sld [smem:$0x3FDB];
	_ =	sdelay $0x1  }
0x99: {  	s19 =	simm.s32 $_scs_section_size  }
0x9a: {  	s4 =	simm.s32 $_size__tile_overlayer_lowered;
	s5 =	simm.s32 $_tile_overlayer_lowered  }
0x9b: {  	s22 =	simm.s32 $0x1BFF;
	s21 =	sshll.u32 s5, $0x1;
	s2 =	sadd.s32 s19, s18  }
0x9c: {  	s6 =	simm.s32 $0x0;
	s20 =	sshll.u32 s4, $0x1;
	s4 =	sadd.s32 s21, s2  }
0x9d: {  	[timem:s6], [sflag:s22] =	dma.local [hbm:s4], s20  }
0x9e: {  	_ =	swait.ge [sflag:s22], s20  }
0x9f: {  	s3 =	ssub.s32 $0x0, s20;
	[sflag:s22] =	ssyncset.done $0x0  }
0xa0: {  	[sflag:s22] =	ssyncadd.s32 s3;
	_ =	sdelay $0x1  }
0xa1: {  	s23 =	simm.s32 $0x1B8B  }
0xa2: {  	_ =	swait.ge [sflag:s23], $0x1  }
0xa3: {  	[sflag:s23] =	ssyncset.done $0x0  }
0xa4: {  	s25 =	simm.s32 $0x1B8E;
	s24 =	sld [smem:$0x3FFE];
	[sflag:s23] =	ssyncadd.s32 $0xFFFFFFFF  }
0xa5: {  	s26 =	simm.s32 $execute0_lowered;
	[smem:$0x3FD2] =	sst s25  }
0xa6: {  	s4 =	sshll.u32 s26, $0x1;
	_ =	strace $0x80000046;
	[dreg:$0x1] =	wrdreg $0xFFFFFFFF  }
0xa7: {  	s28 =	simm.s32 $_size_execute0_lowered;
	s2 =	sadd.s32 s2, s4;
	[dreg:$0x0] =	wrdreg $0x0  }
0xa8: {  	s4 =	sshll.u32 s28, $0x1;
	[dreg:$0x2] =	wrdreg s2  }
0xa9: {  	[dreg:$0x3] =	wrdreg s4  }
0xaa: {  	[dreg:$0x4] =	wrdreg $0xC0  }
0xab: {  	_ =	task [dreg:s6], $0x5FFFF  }
0xac: {  	[dreg:$0x1] =	wrdreg $0xFFFFFFFF  }
0xad: {  	[dreg:$0x0] =	wrdreg $0x60  }
0xae: {  	[dreg:$0x2] =	wrdreg s24  }
0xaf: {  	[dreg:$0x3] =	wrdreg $0x9  }
0xb0: {  	_ =	task.clear_ibuf [dreg:s6], $0x4FFFF;
	_ =	strace $0x90000046  }
0xb1: {  	s29 =	simm.s32 $0x9;
	_ =	strace $0x80000048  }
0xb2: {  	_ =	swait.ge [sflag:s29], $0x1  }
0xb3: {  	[sflag:s29] =	ssyncadd.s32 $0xFFFFFFFF  }
0xb4: {  	_ =	strace $0x90000048  }
0xb5: {  	_ =	sfence  }
0xb6: {  	s30 =	sld [smem:$0x0];
	_ =	sdelay $0x2  }
0xb7: {  	s31 =	sshll.u32 s1, $0xD;
	s1 =	sshrl.u32 s1, $0x2  }
0xb8: {  	s3 =	sand.u32 $0x4000, s31;
	s1 =	sadd.s32 s1, s30  }
0xb9: {  	s0 =	sor.u32 s3, s0;
	s1 =	sshll.u32 s1, $0x11  }
0xba: {  	s0 =	sor.u32 s1, s0  }
0xbb: {  	s0 =	sadd.s32 $0x8F2B, s0  }
0xbc: {  	[sflag:s0] =	ssyncadd.remote.s32 $0x1  }
0xbd: {  	_ =	sfence.sel $0xFFFF  }
0xbe: {  	[dreg:$0x0] =	wrdreg $0xFFFFFFFF;
	(pc) =	sbr.abs _section_cstart, $3  }
0xbf: {  	[dreg:$0x1] =	wrdreg $0xFFFFFFFF  }
0xc0: {  	_ =	task.clear_ibuf [dreg:s6], $0x2FFFF;
	_ =	strace $0x9FFFFFFF  }
0xc1: {  	(tm) =	ssettm $0x7FFFFFFF  }
tec
execute0_lowered:
.L_overlay_start_1:
0x0: {  	(tag) =	ssettag $0x1  }
0x1: {  	s0 =	rddreg [dreg:$0x0];
	s1 =	srdreg.scid  }
0x2: {  	s3 =	stileid.u32;
	s2 =	simm.s32 $0x0;
	s24 =	simm.s32 $0x0  }
0x3: {  	s1 =	sand.u32 $0x1, s1;
	s3 =	sshll.u32 s3, $0x1;
	[smem:$0x7FF] =	sst s2  }
0x4: {  	s16 =	sadd.s32 $0x400, s0;
	s4 =	sadd.s32 $0x2D0400, s0;
	s7 =	sor.u32 s1, s3  }
0x5: {  	_ =	strace $0x80000047;
	s30 =	ssub.s32 $0x2, s1;
	s5 =	smul.u32 $0x1200, s7  }
0x6: {  	s3 =	sadd.s32 $0x24400, s0;
	s1 =	sshrl.u32 s30, $0x1;
	s22 =	smul.u32 $0x14300, s7  }
0x7: {  	s0 =	ssub.s32 s30, s1;
	s1 =	simm.s32 $0x2;
	s12 =	sshrl.u32 s5, $0x3  }
0x8: {  	s5 =	sadd.s32 $0x24000, s5;
	s23 =	smax.u32 s0, $0x1;
	s0 =	simm.s32 $0x1  }
0x9: {  	s6 =	sadd.s32 s16, s12;
	s31 =	sshrl.u32 s5, $0x3;
	s12 =	sadd.s32 s3, s12  }
0xa: {  	s8 =	sadd.s32 $0x9000, s6;
	s9 =	sadd.s32 $0x12000, s6;
	s10 =	sadd.s32 $0x16800, s6  }
0xb: {  	s11 =	sadd.s32 $0x1B000, s6;
	s13 =	sadd.s32 $0x1F800, s6;
	s14 =	sadd.s32 $0x55800, s12  }
0xc: {  	s15 =	sadd.s32 $0xAB000, s12;
	s16 =	sadd.s32 s16, s31;
	s17 =	sadd.s32 $0x100800, s12  }
0xd: {  	s18 =	sadd.s32 $0x1AB800, s12;
	s19 =	sadd.s32 $0x156000, s12;
	s20 =	sadd.s32 $0x201000, s12  }
0xe: {  	v0 =	vimm.f32 $0.0e+00;
	v1 =	vimm.f32 $1.000000000e+00;
	v2 =	vimm.s32 $0x881;
	s21 =	sadd.s32 $0x256800, s12;
	[dreg:$0x2] =	wrdreg s8;
	s8 =	sadd.s32 $0xD800, s6  }
.LBB2_1:
0xf: {  	s7 =	simm.s32 $0x13100  }
0x10: {  	[tilespmem:s7], [sflag:$0x1] =	stream.linear.gather [hbm4b:s6+s2], $0x1200, $0x38;
	[tilespmem:$0x1C100] =	vst v63  }
0x11: {  	s29 =	simm.s32 $0x14300  }
0x12: {  	[tilespmem:s29], [sflag:$0x1] =	stream.linear.gather [hbm4b:s16+s2], $0x1200, $0x38;
	[tilespmem:$0x1C100] =	vst v63  }
0x13: {  	s30 =	rddreg [dreg:$0x2];
	s25 =	simm.s32 $0x15500  }
0x14: {  	[tilespmem:s25], [sflag:$0x1] =	stream.linear.gather [hbm4b:s30+s2], $0x1200, $0x38;
	[tilespmem:$0x1C100] =	vst v63  }
0x15: {  	s31 =	simm.s32 $0x16700  }
0x16: {  	[tilespmem:s31], [sflag:$0x1] =	stream.linear.gather [hbm4b:s8+s2], $0x1200, $0x38;
	[tilespmem:$0x1C100] =	vst v63  }
0x17: {  	s25 =	simm.s32 $0x17900  }
0x18: {  	[tilespmem:s25], [sflag:$0x1] =	stream.linear.gather [hbm4b:s9+s2], $0x1200, $0x38;
	[tilespmem:$0x1C100] =	vst v63  }
0x19: {  	s26 =	simm.s32 $0x18B00  }
0x1a: {  	[tilespmem:s26], [sflag:$0x1] =	stream.linear.gather [hbm4b:s10+s2], $0x1200, $0x38;
	[tilespmem:$0x1C100] =	vst v63  }
0x1b: {  	s28 =	simm.s32 $0x19D00  }
0x1c: {  	[tilespmem:s28], [sflag:$0x1] =	stream.linear.gather [hbm4b:s11+s2], $0x1200, $0x38;
	[tilespmem:$0x1C100] =	vst v63  }
0x1d: {  	s29 =	simm.s32 $0x1AF00  }
0x1e: {  	[tilespmem:s29], [sflag:$0x1] =	stream.linear.gather [hbm4b:s13+s2], $0x1200, $0x38;
	[tilespmem:$0x1C100] =	vst v63  }
0x1f: {  	s30 =	simm.s32 $0x1100  }
0x20: {  	[tilespmem:s30], [sflag:$0x1] =	stream.linear.gather [hbm4b:s12+s2], $0x1200, $0x38;
	[tilespmem:$0x1C100] =	vst v63  }
0x21: {  	s31 =	simm.s32 $0x2300  }
0x22: {  	[tilespmem:s31], [sflag:$0x1] =	stream.linear.gather [hbm4b:s14+s2], $0x1200, $0x38;
	[tilespmem:$0x1C100] =	vst v63  }
0x23: {  	s25 =	simm.s32 $0x3500  }
0x24: {  	[tilespmem:s25], [sflag:$0x1] =	stream.linear.gather [hbm4b:s15+s2], $0x1200, $0x38;
	[tilespmem:$0x1C100] =	vst v63  }
0x25: {  	s26 =	simm.s32 $0x4700  }
0x26: {  	[tilespmem:s26], [sflag:$0x1] =	stream.linear.gather [hbm4b:s17+s2], $0x1200, $0x38;
	[tilespmem:$0x1C100] =	vst v63  }
0x27: {  	s28 =	simm.s32 $0x5900  }
0x28: {  	[tilespmem:s28], [sflag:$0x1] =	stream.linear.gather [hbm4b:s19+s2], $0x1200, $0x38;
	[tilespmem:$0x1C100] =	vst v63  }
0x29: {  	s29 =	simm.s32 $0x6B00  }
0x2a: {  	[tilespmem:s29], [sflag:$0x1] =	stream.linear.gather [hbm4b:s18+s2], $0x1200, $0x38;
	[tilespmem:$0x1C100] =	vst v63  }
0x2b: {  	s30 =	simm.s32 $0x7D00  }
0x2c: {  	[tilespmem:s30], [sflag:$0x1] =	stream.linear.gather [hbm4b:s20+s2], $0x1200, $0x38;
	[tilespmem:$0x1C100] =	vst v63  }
0x2d: {  	s31 =	simm.s32 $0x8F00  }
0x2e: {  	[tilespmem:s31], [sflag:$0x1] =	stream.linear.gather [hbm4b:s21+s2], $0x1200, $0x38;
	[tilespmem:$0x1C100] =	vst v63  }
0x2f: {  	_ =	swait.ge [sflag:s0], $0x1200  }
0x30: {  	[sflag:s0] =	ssyncset.done $0x0  }
0x31: {  	[sflag:s0] =	ssyncadd.s32 $0xFFFFEE00  }
0x32: {  	_ =	swait.ge [sflag:s0], $0x1200  }
0x33: {  	[sflag:s0] =	ssyncset.done $0x0  }
0x34: {  	[sflag:s0] =	ssyncadd.s32 $0xFFFFEE00  }
0x35: {  	_ =	swait.ge [sflag:s0], $0x1200  }
0x36: {  	[sflag:s0] =	ssyncset.done $0x0  }
0x37: {  	[sflag:s0] =	ssyncadd.s32 $0xFFFFEE00  }
0x38: {  	_ =	swait.ge [sflag:s0], $0x1200  }
0x39: {  	[sflag:s0] =	ssyncset.done $0x0  }
0x3a: {  	[sflag:s0] =	ssyncadd.s32 $0xFFFFEE00  }
0x3b: {  	_ =	swait.ge [sflag:s0], $0x1200  }
0x3c: {  	[sflag:s0] =	ssyncset.done $0x0  }
0x3d: {  	[sflag:s0] =	ssyncadd.s32 $0xFFFFEE00  }
0x3e: {  	_ =	swait.ge [sflag:s0], $0x1200  }
0x3f: {  	[sflag:s0] =	ssyncset.done $0x0  }
0x40: {  	[sflag:s0] =	ssyncadd.s32 $0xFFFFEE00  }
0x41: {  	_ =	swait.ge [sflag:s0], $0x1200  }
0x42: {  	[sflag:s0] =	ssyncset.done $0x0  }
0x43: {  	[sflag:s0] =	ssyncadd.s32 $0xFFFFEE00  }
0x44: {  	_ =	swait.ge [sflag:s0], $0x1200  }
0x45: {  	[sflag:s0] =	ssyncset.done $0x0  }
0x46: {  	p0 =	por $0x0, $0x0;
	s25 =	simm.s32 $0x0;
	[sflag:s0] =	ssyncadd.s32 $0xFFFFEE00  }
.LBB2_2:
0x47: {  	_ =	swait.ge [sflag:s0], $0x1200  }
0x48: {  	[sflag:s0] =	ssyncset.done $0x0  }
0x49: {  	[sflag:s0] =	ssyncadd.s32 $0xFFFFEE00  }
0x4a: {  	_ =	swait.ge [sflag:s0], $0x1200  }
0x4b: {  	[sflag:s0] =	ssyncset.done $0x0  }
0x4c: {  	[sflag:s0] =	ssyncadd.s32 $0xFFFFEE00  }
0x4d: {  	_ =	swait.ge [sflag:s0], $0x1200  }
0x4e: {  	[sflag:s0] =	ssyncset.done $0x0  }
0x4f: {  	[sflag:s0] =	ssyncadd.s32 $0xFFFFEE00  }
0x50: {  	_ =	swait.ge [sflag:s0], $0x1200  }
0x51: {  	[sflag:s0] =	ssyncset.done $0x0  }
0x52: {  	[sflag:s0] =	ssyncadd.s32 $0xFFFFEE00  }
0x53: {  	_ =	swait.ge [sflag:s0], $0x1200  }
0x54: {  	[sflag:s0] =	ssyncset.done $0x0  }
0x55: {  	[sflag:s0] =	ssyncadd.s32 $0xFFFFEE00  }
0x56: {  	_ =	swait.ge [sflag:s0], $0x1200  }
0x57: {  	[sflag:s0] =	ssyncset.done $0x0  }
0x58: {  	[sflag:s0] =	ssyncadd.s32 $0xFFFFEE00  }
0x59: {  	s7 =	sand.u32 $0x1, s25;
	p1 =	sne.s32 s25, $0x12;
	_ =	swait.ge [sflag:s0], $0x1200  }
0x5a: {  	s7 =	sxor.u32 @p1 $0x1, s7;
	s26 =	smul.u32 @p1 $0x24000, s25;
	[sflag:s0] =	ssyncset.done $0x0  }
0x5b: {  	s7 =	smul.u32 @p1 $0x24000, s7;
	[sflag:s0] =	ssyncadd.s32 $0xFFFFEE00  }
0x5c: {  	s29 =	simm.s32 @p1 $0x0;
	s26 =	sadd.s32 @p1 s26, s5;
	_ =	swait.ge [sflag:s0], $0x1200  }
0x5d: {  	s7 =	sshrl.u32 @p1 s7, $0x2;
	s26 =	sshrl.u32 @p1 s26, $0x3;
	[sflag:s0] =	ssyncset.done $0x0  }
0x5e: {  	s28 =	sadd.s32 @p1 $0x1100, s7;
	s26 =	sadd.s32 @p1 s3, s26;
	[sflag:s0] =	ssyncadd.s32 $0xFFFFEE00  }
0x5f: {  	[tilespmem:s28], [sflag:$0x1] =	stream.linear.gather @p1 [hbm4b:s26+s29], $0x1200, $0x38;
	[tilespmem:$0x1C100] =	vst v63  }
0x60: {  	s30 =	sadd.s32 @p1 $0x55800, s26;
	s28 =	sadd.s32 @p1 $0x2300, s7  }
0x61: {  	[tilespmem:s28], [sflag:$0x1] =	stream.linear.gather @p1 [hbm4b:s30+s29], $0x1200, $0x38;
	[tilespmem:$0x1C100] =	vst v63  }
0x62: {  	s28 =	sadd.s32 @p1 $0x3500, s7;
	s30 =	sadd.s32 @p1 $0xAB000, s26  }
0x63: {  	[tilespmem:s28], [sflag:$0x1] =	stream.linear.gather @p1 [hbm4b:s30+s29], $0x1200, $0x38;
	[tilespmem:$0x1C100] =	vst v63  }
0x64: {  	s28 =	sadd.s32 @p1 $0x4700, s7;
	s30 =	sadd.s32 @p1 $0x100800, s26  }
0x65: {  	[tilespmem:s28], [sflag:$0x1] =	stream.linear.gather @p1 [hbm4b:s30+s29], $0x1200, $0x38;
	[tilespmem:$0x1C100] =	vst v63  }
0x66: {  	s28 =	sadd.s32 @p1 $0x5900, s7;
	s30 =	sadd.s32 @p1 $0x156000, s26  }
0x67: {  	[tilespmem:s28], [sflag:$0x1] =	stream.linear.gather @p1 [hbm4b:s30+s29], $0x1200, $0x38;
	[tilespmem:$0x1C100] =	vst v63  }
0x68: {  	s28 =	simm.s32 $0x1  }
0x69: {  	s31 =	sadd.s32 @p1 $0x1AB800, s26;
	s30 =	sadd.s32 @p1 $0x6B00, s7;
	s28 =	simm.s32 @!p0 $0x0  }
0x6a: {  	[tilespmem:s30], [sflag:$0x1] =	stream.linear.gather @p1 [hbm4b:s31+s29], $0x1200, $0x38;
	[tilespmem:$0x1C100] =	vst v63  }
0x6b: {  	s30 =	sadd.s32 @p1 $0x7D00, s7;
	s31 =	sadd.s32 @p1 $0x201000, s26;
	s28 =	smul.u32 $0x24000, s28  }
0x6c: {  	[tilespmem:s30], [sflag:$0x1] =	stream.linear.gather @p1 [hbm4b:s31+s29], $0x1200, $0x38;
	[tilespmem:$0x1C100] =	vst v63  }
0x6d: {  	s7 =	sadd.s32 @p1 $0x8F00, s7;
	s26 =	sadd.s32 @p1 $0x256800, s26;
	s31 =	sshrl.u32 s28, $0x2  }
0x6e: {  	[tilespmem:s7], [sflag:$0x1] =	stream.linear.gather @p1 [hbm4b:s26+s29], $0x1200, $0x38;
	[tilespmem:$0x1C100] =	vst v63  }
0x6f: {  	s28 =	simm.s32 $0x0;
	s26 =	sadd.s32 $0x1140, s31;
	s7 =	simm.s32 $0x40  }
.LBB2_3:
0x70: {  	p1 =	seq.s32 s7, $0x43C0;
	[tilespmem:s28+$0x0] =	vst v0;
	s28 =	smov.u32 s7;
	s7 =	sadd.s32 $0x40, s7  }
.Ltmp0:
0x71: {  	(pc) =	sbr.rel @!p1 .LBB2_3-.Ltmp0, $2  }
0x72: {  	_ =	sdelay $0x2  }
0x73: {  	s28 =	sshra.s32 s28, $0x2  }
0x74: {  	[tilespmem:s28+$0x0] =	vst v0;
	v3 =	vmov s25;
	s28 =	simm.s32 $0x0;
	s7 =	simm.s32 $0x13140  }
.LBB2_5:
0x75: {  	v4 =	vld [tilespmem:s26+$0x30]  }
0x76: {  	v5 =	vld [tilespmem:s7+$0x30]  }
0x77: {  	v6 =	vld [tilespmem:s7+$0xFFFFFFC0]  }
0x78: {  	v7 =	vld [tilespmem:s26+$0xFFFFFFD0]  }
0x79: {  	v8 =	vld [tilespmem:s7+$0xFFFFFFD0]  }
0x7a: {  	v10 =	vld [tilespmem:s7+$0xFFFFFFE0]  }
0x7b: {  	v9 =	vld [tilespmem:s26+$0xFFFFFFE0]  }
0x7c: {  	v11 =	vld [tilespmem:s26+$0xFFFFFFF0]  }
0x7d: {  	vm5 =	veq.s32 v5, v3;
	v5 =	vxor.u32 $0x80000000, v4  }
0x7e: {  	v16 =	vld [tilespmem:s7+$0x10];
	vm13 =	veq.s32 v6, v3;
	vm14 =	veq.s32 v8, v3;
	v4 =	vsel vm5, v5, v4  }
0x7f: {  	vm2 =	veq.s32 v10, v3;
	v5 =	vld [tilespmem:s7+$0xFFFFFFF0];
	v6 =	vadd.f32 $1.000000000e+00, v4;
	v4 =	vxor.u32 $0x80000000, v7  }
0x80: {  	v12 =	vld [tilespmem:s7+$0x0];
	v13 =	vsel vm13, $0x1, v2;
	v4 =	vsel vm14, v4, v7;
	v7 =	vxor.u32 $0x80000000, v9  }
0x81: {  	v8 =	vld [tilespmem:s26+$0x0];
	v14 =	vadd.s32 $0xC8800000, v6;
	v7 =	vsel vm2, v7, v9;
	v9 =	vxor.u32 $0x80000000, v11  }
0x82: {  	v10 =	vld [tilespmem:s26+$0x10];
	v4 =	vadd.f32 $1.000000000e+00, v4;
	vm6 =	vgt.f32 v6, $0.0e+00;
	v6 =	vsel vm5, $0x1, v2  }
0x83: {  	v15 =	vshra.s32 v14, $0x11;
	v14 =	vshra.s32 v14, $0x1F;
	vm7 =	vmor vm5, vm6  }
0x84: {  	v17 =	vld [tilespmem:s7+$0x20];
	vm5 =	veq.s32 v16, v3;
	v14 =	vor.u32 v14, v15;
	vm3 =	veq.s32 v5, v3  }
0x85: {  	v15 =	vld [tilespmem:s26+$0x20];
	v26 =	vsel vm5, $0x1, v2;
	vm4 =	vlt.s32 v14, $0x7FF;
	v9 =	vsel vm3, v9, v11  }
0x86: {  	v63 =	vsel vm3, $0x1, v2;
	v5 =	vnsel vm4, $0x7FF, v14;
	vm4 =	veq.s32 v12, v3  }
0x87: {  	v12 =	vxor.u32 $0x80000000, v10;
	v5 =	vadd.s32 v5, v6;
	v6 =	vxor.u32 $0x80000000, v8  }
0x88: {  	v14 =	vld [tilespmem:s26+$0xFFFFFFC0];
	v25 =	vsel vm4, $0x1, v2;
	v18 =	vnsel vm6, $0x801, v5;
	v6 =	vsel vm4, v6, v8  }
0x89: {  	v5 =	vadd.f32 $1.000000000e+00, v7;
	v7 =	vsel vm5, v12, v10;
	vm6 =	veq.s32 v17, v3  }
0x8a: {  	v12 =	vadd.s32 $0xC8800000, v4;
	v10 =	vxor.u32 $0x80000000, v15;
	v6 =	vadd.f32 $1.000000000e+00, v6  }
0x8b: {  	v7 =	vadd.f32 $1.000000000e+00, v7;
	v20 =	vshra.s32 v12, $0x11;
	v12 =	vshra.s32 v12, $0x1F  }
0x8c: {  	v8 =	vadd.f32 $1.000000000e+00, v9;
	v10 =	vsel vm6, v10, v15;
	v12 =	vor.u32 v12, v20  }
0x8d: {  	v9 =	vxor.u32 $0x80000000, v14;
	v15 =	vadd.s32 $0xC8800000, v6;
	v16 =	vadd.s32 $0xC8800000, v7  }
0x8e: {  	vm9 =	vlt.s32 v12, $0x7FF;
	v11 =	vsel vm13, v9, v14;
	v9 =	vadd.f32 $1.000000000e+00, v10  }
0x8f: {  	v14 =	vadd.s32 $0xC8800000, v8;
	v24 =	vshra.s32 v15, $0x11;
	v15 =	vshra.s32 v15, $0x1F  }
0x90: {  	v59 =	vshra.s32 v16, $0x11;
	v16 =	vshra.s32 v16, $0x1F;
	v10 =	vadd.f32 $1.000000000e+00, v11  }
0x91: {  	v11 =	vadd.s32 $0xC8800000, v5;
	v23 =	vshra.s32 v14, $0x11;
	v14 =	vshra.s32 v14, $0x1F  }
0x92: {  	v15 =	vor.u32 v15, v24;
	v16 =	vor.u32 v16, v59;
	v17 =	vadd.s32 $0xC8800000, v9  }
0x93: {  	v22 =	vshra.s32 v11, $0x11;
	v11 =	vshra.s32 v11, $0x1F;
	v14 =	vor.u32 v14, v23  }
0x94: {  	vm12 =	vlt.s32 v15, $0x7FF;
	v19 =	vadd.s32 $0xC8800000, v10;
	v20 =	vshra.s32 v17, $0x11  }
0x95: {  	v17 =	vshra.s32 v17, $0x1F;
	v11 =	vor.u32 v11, v22;
	vm11 =	vlt.s32 v14, $0x7FF  }
0x96: {  	v61 =	vnsel vm12, $0x7FF, v15;
	v15 =	vsel vm2, $0x1, v2;
	v21 =	vshra.s32 v19, $0x11  }
0x97: {  	v19 =	vshra.s32 v19, $0x1F;
	v17 =	vor.u32 v17, v20;
	vm10 =	vlt.s32 v11, $0x7FF  }
0x98: {  	v20 =	vnsel vm9, $0x7FF, v12;
	v60 =	vnsel vm11, $0x7FF, v14;
	v14 =	vsel vm14, $0x1, v2  }
0x99: {  	v19 =	vor.u32 v19, v21;
	vm9 =	vlt.s32 v17, $0x7FF;
	v11 =	vnsel vm10, $0x7FF, v11  }
0x9a: {  	vm8 =	vlt.s32 v19, $0x7FF;
	v12 =	vnsel vm9, $0x7FF, v17;
	v17 =	vadd.s32 v20, v14  }
0x9b: {  	v14 =	vadd.s32 v11, v15;
	v19 =	vnsel vm8, $0x7FF, v19;
	vm8 =	vlt.s32 v16, $0x7FF  }
0x9c: {  	[tilespmem:v18+s2+$0x0] =	vst.idx.add.f32.msk vm7, v1;
	v15 =	vadd.s32 v60, v63;
	v62 =	vnsel vm8, $0x7FF, v16;
	v16 =	vsel vm6, $0x1, v2  }
0x9d: {  	s30 =	simm.s32 $0x0;
	s31 =	sadd.s32 $0x80, s26;
	s29 =	smov.u32 s7;
	v18 =	vadd.s32 v19, v13;
	v13 =	vadd.s32 v61, v25;
	v11 =	vadd.s32 v62, v26  }
.LBB2_6:
0x9e: {  	v19 =	vld [tilespmem:s31+$0x30];
	vm7 =	vgt.f32 v10, $0.0e+00;
	vm9 =	vgt.f32 v4, $0.0e+00;
	v4 =	vadd.s32 v12, v16;
	s29 =	sadd.s32 $0x80, s29  }
0x9f: {  	s30 =	sadd.s32 $0x8, s30;
	vm10 =	vgt.f32 v5, $0.0e+00;
	vm11 =	vgt.f32 v8, $0.0e+00;
	vm0 =	vgt.f32 v6, $0.0e+00;
	v10 =	vld [tilespmem:s29+$0x30]  }
0xa0: {  	vm8 =	vgt.f32 v7, $0.0e+00;
	vm15 =	vgt.f32 v9, $0.0e+00;
	p1 =	slt.u32 s30, $0x10;
	v6 =	vnsel vm7, $0x801, v18;
	v5 =	vld [tilespmem:s29+$0xFFFFFFC0]  }
0xa1: {  	v8 =	vnsel vm9, $0x801, v17;
	v9 =	vnsel vm10, $0x801, v14;
	v12 =	vnsel vm11, $0x801, v15;
	v7 =	vld [tilespmem:s31+$0xFFFFFFD0]  }
0xa2: {  	v13 =	vnsel vm0, $0x801, v13;
	v15 =	vnsel vm8, $0x801, v11;
	v14 =	vld [tilespmem:s29+$0xFFFFFFD0]  }
0xa3: {  	v16 =	vnsel vm15, $0x801, v4;
	vm1 =	vmor vm13, vm7;
	vm12 =	vmor vm14, vm9  }
0xa4: {  	vm10 =	vmor vm2, vm10;
	v4 =	vld [tilespmem:s31+$0xFFFFFFE0];
	vm14 =	veq.s32 v10, v3;
	v10 =	vxor.u32 $0x80000000, v19  }
0xa5: {  	vm11 =	vmor vm3, vm11;
	vm7 =	vmor vm4, vm0;
	v17 =	vld [tilespmem:s29+$0xFFFFFFE0];
	v10 =	vsel vm14, v10, v19  }
0xa6: {  	vm9 =	vmor vm5, vm8;
	vm13 =	veq.s32 v5, v3;
	v5 =	vld [tilespmem:s31+$0xFFFFFFF0];
	v10 =	vadd.f32 $1.000000000e+00, v10  }
0xa7: {  	v11 =	vsel vm13, $0x1, v2;
	v18 =	vxor.u32 $0x80000000, v7;
	v19 =	vld [tilespmem:s29+$0xFFFFFFF0];
	vm2 =	veq.s32 v14, v3  }
0xa8: {  	vm8 =	vmor vm6, vm15;
	v14 =	vld [tilespmem:s31+$0x0];
	v7 =	vsel vm2, v18, v7;
	v21 =	vadd.s32 $0xC8800000, v10  }
0xa9: {  	v18 =	vxor.u32 $0x80000000, v4;
	v20 =	vld [tilespmem:s29+$0x0];
	v22 =	vshra.s32 v21, $0x11;
	v21 =	vshra.s32 v21, $0x1F  }
0xaa: {  	vm5 =	vgt.f32 v10, $0.0e+00;
	vm6 =	veq.s32 v17, v3;
	v17 =	vld [tilespmem:s31+$0x10];
	v21 =	vor.u32 v21, v22  }
0xab: {  	v18 =	vsel vm6, v18, v4;
	v23 =	vxor.u32 $0x80000000, v5;
	v24 =	vld [tilespmem:s29+$0x10];
	vm0 =	vlt.s32 v21, $0x7FF  }
0xac: {  	v4 =	vadd.f32 $1.000000000e+00, v7;
	vm3 =	veq.s32 v19, v3;
	v19 =	vld [tilespmem:s31+$0x20];
	v10 =	vnsel vm0, $0x7FF, v21  }
0xad: {  	v7 =	vld [tilespmem:s29+$0x20];
	v21 =	vsel vm14, $0x1, v2;
	vm0 =	vmor vm14, vm5;
	vm14 =	vmmov vm2  }
0xae: {  	vm2 =	vmmov vm6;
	v22 =	vld [tilespmem:s31+$0xFFFFFFC0];
	vm4 =	veq.s32 v20, v3;
	v10 =	vadd.s32 v10, v21  }
0xaf: {  	v20 =	vxor.u32 $0x80000000, v14;
	v21 =	vxor.u32 $0x80000000, v17;
	v10 =	vnsel vm5, $0x801, v10;
	[tilespmem:v6+s2+$0x0] =	vst.idx.add.f32.msk vm1, v1  }
0xb0: {  	v6 =	vsel vm3, v23, v5;
	v14 =	vsel vm4, v20, v14;
	vm5 =	veq.s32 v24, v3  }
0xb1: {  	v5 =	vadd.f32 $1.000000000e+00, v18;
	v17 =	vsel vm5, v21, v17;
	v18 =	vxor.u32 $0x80000000, v19;
	[tilespmem:v8+s2+$0x0] =	vst.idx.add.f32.msk vm12, v1  }
0xb2: {  	v8 =	vadd.f32 $1.000000000e+00, v6;
	v6 =	vadd.f32 $1.000000000e+00, v14;
	vm6 =	veq.s32 v7, v3;
	[tilespmem:v9+s2+$0x0] =	vst.idx.add.f32.msk vm10, v1  }
0xb3: {  	v7 =	vadd.f32 $1.000000000e+00, v17;
	v9 =	vxor.u32 $0x80000000, v22;
	v14 =	vsel vm6, v18, v19;
	[tilespmem:v12+s2+$0x0] =	vst.idx.add.f32.msk vm11, v1  }
0xb4: {  	v17 =	vadd.s32 $0xC8800000, v4;
	v12 =	vsel vm13, v9, v22;
	v9 =	vadd.f32 $1.000000000e+00, v14;
	[tilespmem:v10+s2+$0x0] =	vst.idx.add.f32.msk vm0, v1  }
0xb5: {  	v14 =	vadd.s32 $0xC8800000, v8;
	v10 =	vadd.f32 $1.000000000e+00, v12;
	v12 =	vadd.s32 $0xC8800000, v5;
	[tilespmem:v13+s2+$0x0] =	vst.idx.add.f32.msk vm7, v1  }
0xb6: {  	v18 =	vadd.s32 $0xC8800000, v7;
	v13 =	vadd.s32 $0xC8800000, v6;
	v19 =	vadd.s32 $0xC8800000, v9;
	[tilespmem:v15+s2+$0x0] =	vst.idx.add.f32.msk vm9, v1  }
0xb7: {  	v20 =	vshra.s32 v17, $0x11;
	v17 =	vshra.s32 v17, $0x1F;
	v15 =	vadd.s32 $0xC8800000, v10;
	[tilespmem:v16+s2+$0x0] =	vst.idx.add.f32.msk vm8, v1  }
0xb8: {  	v21 =	vshra.s32 v12, $0x11;
	v16 =	vshra.s32 v15, $0x11;
	v15 =	vshra.s32 v15, $0x1F  }
0xb9: {  	v22 =	vshra.s32 v14, $0x11;
	v14 =	vshra.s32 v14, $0x1F;
	v12 =	vshra.s32 v12, $0x1F  }
0xba: {  	v24 =	vshra.s32 v18, $0x11;
	v23 =	vshra.s32 v13, $0x11;
	v13 =	vshra.s32 v13, $0x1F  }
0xbb: {  	v18 =	vshra.s32 v18, $0x1F;
	v25 =	vshra.s32 v19, $0x11;
	v19 =	vshra.s32 v19, $0x1F  }
0xbc: {  	v12 =	vor.u32 v12, v21;
	v15 =	vor.u32 v15, v16;
	v16 =	vor.u32 v17, v20  }
0xbd: {  	v14 =	vor.u32 v14, v22;
	v13 =	vor.u32 v13, v23;
	v17 =	vor.u32 v18, v24  }
0xbe: {  	v18 =	vor.u32 v19, v25;
	vm0 =	vlt.s32 v15, $0x7FF;
	vm7 =	vlt.s32 v16, $0x7FF  }
0xbf: {  	vm9 =	vlt.s32 v14, $0x7FF;
	vm8 =	vlt.s32 v12, $0x7FF;
	vm10 =	vlt.s32 v13, $0x7FF  }
0xc0: {  	vm11 =	vlt.s32 v18, $0x7FF;
	v15 =	vnsel vm0, $0x7FF, v15;
	vm0 =	vlt.s32 v17, $0x7FF  }
0xc1: {  	v21 =	vnsel vm9, $0x7FF, v14;
	v20 =	vnsel vm8, $0x7FF, v12;
	v19 =	vnsel vm7, $0x7FF, v16  }
.Ltmp1:
0xc2: {  	v13 =	vnsel vm10, $0x7FF, v13;
	v12 =	vnsel vm11, $0x7FF, v18;
	v22 =	vnsel vm0, $0x7FF, v17;
	(pc) =	sbr.rel @p1 .LBB2_6-.Ltmp1, $4  }
0xc3: {  	v23 =	vsel vm2, $0x1, v2;
	v14 =	vsel vm14, $0x1, v2;
	v24 =	vsel vm3, $0x1, v2  }
0xc4: {  	v26 =	vsel vm5, $0x1, v2;
	v25 =	vsel vm4, $0x1, v2;
	v16 =	vsel vm6, $0x1, v2  }
0xc5: {  	v18 =	vadd.s32 v15, v11;
	v17 =	vadd.s32 v19, v14;
	v14 =	vadd.s32 v20, v23  }
0xc6: {  	s31 =	sadd.s32 $0x80, s31;
	v13 =	vadd.s32 v13, v25;
	v15 =	vadd.s32 v21, v24;
	v11 =	vadd.s32 v22, v26  }
0xc7: {  	vm0 =	vgt.f32 v10, $0.0e+00  }
0xc8: {  	vm7 =	vgt.f32 v4, $0.0e+00;
	vm8 =	vmor vm13, vm0  }
0xc9: {  	vm9 =	vgt.f32 v5, $0.0e+00;
	v4 =	vnsel vm0, $0x801, v18;
	vm0 =	vmor vm14, vm7  }
0xca: {  	vm1 =	vgt.f32 v8, $0.0e+00;
	v5 =	vnsel vm7, $0x801, v17;
	vm2 =	vmor vm2, vm9  }
0xcb: {  	vm12 =	vgt.f32 v6, $0.0e+00;
	v59 =	vnsel vm9, $0x801, v14;
	vm3 =	vmor vm3, vm1  }
0xcc: {  	vm13 =	vgt.f32 v7, $0.0e+00;
	v60 =	vnsel vm1, $0x801, v15;
	vm14 =	vmor vm4, vm12  }
0xcd: {  	vm15 =	vgt.f32 v9, $0.0e+00;
	v61 =	vnsel vm12, $0x801, v13;
	vm5 =	vmor vm5, vm13  }
0xce: {  	v62 =	vadd.s32 v12, v16;
	s28 =	sadd.s32 $0x1, s28;
	vm6 =	vmor vm6, vm15;
	v63 =	vnsel vm13, $0x801, v11;
	[tilespmem:v4+s2+$0x0] =	vst.idx.add.f32.msk vm8, v1  }
0xcf: {  	p1 =	sne.s32 s28, $0x60;
	v4 =	vnsel vm15, $0x801, v62;
	[tilespmem:v5+s2+$0x0] =	vst.idx.add.f32.msk vm0, v1  }
.Ltmp2:
0xd0: {  	[tilespmem:v59+s2+$0x0] =	vst.idx.add.f32.msk vm2, v1;
	(pc) =	sbr.rel @p1 .LBB2_5-.Ltmp2, $4  }
0xd1: {  	[tilespmem:v60+s2+$0x0] =	vst.idx.add.f32.msk vm3, v1  }
0xd2: {  	[tilespmem:v61+s2+$0x0] =	vst.idx.add.f32.msk vm14, v1  }
0xd3: {  	[tilespmem:v63+s2+$0x0] =	vst.idx.add.f32.msk vm5, v1  }
0xd4: {  	s7 =	sadd.s32 $0x180, s7;
	s26 =	sadd.s32 $0x180, s26;
	[tilespmem:v4+s2+$0x0] =	vst.idx.add.f32.msk vm6, v1  }
0xd5: {  	s7 =	smul.u32 $0x1100, s25;
	_ =	sdelay $0x1  }
0xd6: {  	s25 =	sadd.s32 $0x1, s25;
	s7 =	sadd.s32 s22, s7  }
0xd7: {  	p1 =	sne.s32 s25, $0x13;
	s7 =	sshrl.u32 s7, $0x3  }
.Ltmp3:
0xd8: {  	s7 =	sadd.s32 s4, s7;
	(pc) =	sbr.rel @p1 .LBB2_2-.Ltmp3, $4  }
0xd9: {  	[hbm4b:s7+s2] =	stream.linear.scatter [tilespmem:s2], [sflag:$0x2], $0x1100, $0x38;
	[tilespmem:$0x1C100] =	vst v63  }
0xda: {  	_ =	swait.ge [sflag:s1], $0x1100  }
0xdb: {  	[sflag:s1] =	ssyncset.done $0x0  }
0xdc: {  	p0 =	por !p0, !p0;
	[sflag:s1] =	ssyncadd.s32 $0xFFFFEF00  }
0xdd: {  	s24 =	sadd.s32 $0x1, s24  }
0xde: {  	p0 =	sne.s32 s24, s23  }
.Ltmp4:
0xdf: {  	_ = 	snop;
	(pc) =	sbr.rel @p0 .LBB2_1-.Ltmp4, $1  }
0xe0: {  	_ =	sdelay $0x3  }
0xe1: {  	_ =	sfence.sel $0x180000  }
0xe2: {  	[bflag:$0x0] =	sbarrier.arrive $0xFFFF  }
0xe3: {  	_ =	strace $0x90000047  }
0xe4: {  	s0 =	stileid.u32;
	[bflag:$0x2] =	sbarrier.arrive $0xFFFF  }
0xe5: {  	p0 =	sne.s32 s0, $0x0;
	s0 =	rddreg [dreg:$0x1]  }
0xe6: {  	s0 =	sadd.s32 @!p0 $0x100000, s0  }
0xe7: {  	[sflag:s0] =	ssyncadd.tile.s32 @!p0 $0x1;
	_ =	shalt  }
.Lfunc_end2:
_tile_overlayer_lowered:
.L_overlay_start_2:
0xe8: {  	(tag) =	ssettag $0x2  }
0xe9: {  	s0 =	rddreg [dreg:$0x0];
	s2 =	stileid.u32  }
0xea: {  	s1 =	rddreg [dreg:$0x1];
	p0 =	sne.s32 s2, $0x0  }
0xeb: {  	s3 =	rddreg [dreg:$0x2];
	[bflag:$0x3] =	sbarrier.arrive $0xFFFF;
	s2 =	simm.s32 @!p0 $0x1C02  }
0xec: {  	[timem:s3], [sflag:s2] =	dma.local @!p0 [hbm:s0], s1  }
0xed: {  	s0 =	simm.s32 @!p0 $0x2  }
0xee: {  	_ =	swait.ge @!p0 [sflag:s0], s1  }
0xef: {  	s1 =	ssub.s32 @!p0 $0x0, s1;
	[sflag:s0] =	ssyncset.done @!p0 $0x0  }
0xf0: {  	[sflag:s0] =	ssyncadd.s32 @!p0 s1  }
0xf1: {  	[bflag:$0x3] =	sbarrier.arrive $0xFFFF  }
0xf2: {  	_ =	shalt  }

</sc_bundles>
